<compile_context>
chip_gen: v7x
topology: tpu7x:2x2x1
jax: 0.10.2.dev20260603
libtpu: 0.0.44.dev20260713+nightly
codegen_flags: <defaults>
</compile_context>

<pallas_src>
import functools

import jax
import jax.numpy as jnp
from jax import lax
from jax.experimental import pallas as pl
from jax.experimental.pallas import tpu as pltpu
from jax.experimental.pallas import tpu_sc as plsc

N = 10000
E = 320000
D = 128
K = 10

NC = 2
NS = 16
NW = NC * NS
EPW = E // NW
EB = 80
NB = EPW // EB
GNB = E // EB
NPAD = 10240
RPT = NPAD // NS
RB = 1000
LANES = 16

_mesh = plsc.VectorSubcoreMesh(core_axis_name="c", subcore_axis_name="s")



@functools.partial(
    pl.kernel,
    mesh=_mesh,
    out_type=jax.ShapeDtypeStruct((NC, N), jnp.float32),
    scratch_types=[
        pltpu.VMEM((EB,), jnp.int32),
        pltpu.VMEM((EB,), jnp.float32),
        pltpu.VMEM_SHARED((N,), jnp.float32),
    ],
)
def _deg_kernel(col_hbm, ew_hbm, zeros_hbm, out_hbm, col_v, ew_v, deg_sh):
    c = lax.axis_index("c")
    s = lax.axis_index("s")
    wid = s * NC + c

    @pl.when(s == 0)
    def _():
        pltpu.sync_copy(zeros_hbm, deg_sh)

    plsc.subcore_barrier()

    def body(it, carry):
        git = wid * NB + it
        pltpu.sync_copy(col_hbm.at[git], col_v)
        pltpu.sync_copy(ew_hbm.at[git], ew_v)
        pltpu.sync_copy(ew_v, deg_sh.at[col_v], add=True)
        return carry

    lax.fori_loop(0, NB, body, 0)
    plsc.subcore_barrier()

    @pl.when(s == 0)
    def _():
        pltpu.sync_copy(deg_sh, out_hbm.at[c])


@functools.partial(
    pl.kernel,
    mesh=_mesh,
    out_type=jax.ShapeDtypeStruct((NC, NPAD, D), jnp.float32),
    scratch_types=[
        pltpu.VMEM((EB,), jnp.int32),
        pltpu.VMEM((EB,), jnp.int32),
        pltpu.VMEM((EB, LANES), jnp.float32),
        pltpu.VMEM((EB, D), jnp.float32),
        pltpu.VMEM_SHARED((NPAD, D), jnp.float32),
        pltpu.SemaphoreType.DMA,
    ],
)
def _edge_kernel(g_hbm, row_hbm, col_hbm, ew16_hbm, zrows_hbm, out_hbm,
                 row_v, col_v, ew16_v, rows_v, acc_sh, sem):
    c = lax.axis_index("c")
    s = lax.axis_index("s")
    wid = s * NC + c

    pltpu.sync_copy(zrows_hbm, acc_sh.at[pl.ds(s * RPT, RPT)])
    plsc.subcore_barrier()

    def body(it, carry):
        git = wid * NB + it
        pltpu.sync_copy(row_hbm.at[git], row_v)
        pltpu.sync_copy(col_hbm.at[git], col_v)
        pltpu.sync_copy(ew16_hbm.at[git], ew16_v)
        pltpu.async_copy(g_hbm.at[row_v], rows_v, sem).wait()

        def scale(e, c2):
            w = ew16_v[e]
            for j in range(D // LANES):
                sl = pl.ds(j * LANES, LANES)
                rows_v[e, sl] = rows_v[e, sl] * w
            return c2

        lax.fori_loop(0, EB, scale, 0)
        pltpu.sync_copy(rows_v, acc_sh.at[col_v], add=True)
        return carry

    lax.fori_loop(0, NB, body, 0)
    plsc.subcore_barrier()
    pltpu.sync_copy(acc_sh.at[pl.ds(s * RPT, RPT)],
                    out_hbm.at[c, pl.ds(s * RPT, RPT)])



def _stage1_body(dp_ref, x_ref, w1_ref, g_ref, dis_ref):
    dp = dp_ref[...]
    deg = dp[0] + dp[1] + 1.0
    dis = lax.rsqrt(deg)
    hw = jnp.dot(x_ref[...], w1_ref[...], preferred_element_type=jnp.float32)
    g_ref[...] = hw * dis
    dis_ref[...] = dis


def _stage1(deg_parts, x, W1):
    return pl.pallas_call(
        _stage1_body,
        grid=(N // RB,),
        in_specs=[
            pl.BlockSpec((NC, RB, 1), lambda i: (0, i, 0)),
            pl.BlockSpec((RB, D), lambda i: (i, 0)),
            pl.BlockSpec((D, D), lambda i: (0, 0)),
        ],
        out_specs=[
            pl.BlockSpec((RB, D), lambda i: (i, 0)),
            pl.BlockSpec((RB, 1), lambda i: (i, 0)),
        ],
        out_shape=[
            jax.ShapeDtypeStruct((N, D), jnp.float32),
            jax.ShapeDtypeStruct((N, 1), jnp.float32),
        ],
    )(deg_parts, x, W1)


def _stage2_body(acc_ref, g_ref, dis_ref, b1_ref, w2_ref, g2_ref):
    acc = acc_ref[...]
    tot = acc[0] + acc[1] + g_ref[...]
    h = jnp.maximum(tot * dis_ref[...] + b1_ref[...], 0.0)
    hw = jnp.dot(h, w2_ref[...], preferred_element_type=jnp.float32)
    g2_ref[...] = hw * dis_ref[...]


def _stage2(acc1, g1, dis, b1, W2):
    return pl.pallas_call(
        _stage2_body,
        grid=(N // RB,),
        in_specs=[
            pl.BlockSpec((NC, RB, D), lambda i: (0, i, 0)),
            pl.BlockSpec((RB, D), lambda i: (i, 0)),
            pl.BlockSpec((RB, 1), lambda i: (i, 0)),
            pl.BlockSpec((D,), lambda i: (0,)),
            pl.BlockSpec((D, D), lambda i: (0, 0)),
        ],
        out_specs=pl.BlockSpec((RB, D), lambda i: (i, 0)),
        out_shape=jax.ShapeDtypeStruct((N, D), jnp.float32),
    )(acc1, g1, dis, b1, W2)


def _elu(v):
    return jnp.where(v > 0.0, v, jnp.exp(v) - 1.0)


def _stage3_body(acc_ref, g_ref, dis_ref, b2_ref, wm1_ref, bm1_ref,
                 wm2_ref, bm2_ref, s_ref):
    acc = acc_ref[...]
    tot = acc[0] + acc[1] + g_ref[...]
    h = _elu(tot * dis_ref[...] + b2_ref[...])
    t = _elu(jnp.dot(h, wm1_ref[...], preferred_element_type=jnp.float32)
             + bm1_ref[...])
    hcl = jnp.dot(t, wm2_ref[...], preferred_element_type=jnp.float32) + bm2_ref[...]
    m = jnp.max(hcl, axis=-1, keepdims=True)
    ex = jnp.exp(hcl - m)
    s_ref[...] = ex / jnp.sum(ex, axis=-1, keepdims=True)


def _stage3(acc2, g2, dis, b2, Wm1, bm1, Wm2, bm2):
    return pl.pallas_call(
        _stage3_body,
        grid=(N // RB,),
        in_specs=[
            pl.BlockSpec((NC, RB, D), lambda i: (0, i, 0)),
            pl.BlockSpec((RB, D), lambda i: (i, 0)),
            pl.BlockSpec((RB, 1), lambda i: (i, 0)),
            pl.BlockSpec((D,), lambda i: (0,)),
            pl.BlockSpec((D, D), lambda i: (0, 0)),
            pl.BlockSpec((D,), lambda i: (0,)),
            pl.BlockSpec((D, K), lambda i: (0, 0)),
            pl.BlockSpec((K,), lambda i: (0,)),
        ],
        out_specs=pl.BlockSpec((RB, K), lambda i: (i, 0)),
        out_shape=jax.ShapeDtypeStruct((N, K), jnp.float32),
    )(acc2, g2, dis, b2, Wm1, bm1, Wm2, bm2)



def kernel(x, edge_index, edge_attr, A, W1, b1, W2, b2, Wm1, bm1, Wm2, bm2):
    row = edge_index[0].astype(jnp.int32).reshape(GNB, EB)
    col = edge_index[1].astype(jnp.int32).reshape(GNB, EB)
    ew16 = jnp.broadcast_to(edge_attr.reshape(GNB, EB, 1), (GNB, EB, LANES))

    zeros_n = jnp.zeros((N,), jnp.float32)
    zeros_rows = jnp.zeros((RPT, D), jnp.float32)

    deg_parts = _deg_kernel(col, edge_attr.reshape(GNB, EB), zeros_n)
    g1, dis = _stage1(deg_parts.reshape(NC, N, 1), x, W1)
    acc1 = _edge_kernel(g1, row, col, ew16, zeros_rows)
    g2 = _stage2(acc1, g1, dis, b1, W2)
    acc2 = _edge_kernel(g2, row, col, ew16, zeros_rows)
    S = _stage3(acc2, g2, dis, b2, Wm1, bm1, Wm2, bm2)
    return (A, S)

# --- scband reference (transcript-rebuilt; emitter-appended) ---
"""Pipeline reference for scband-gnnpool-11982958756014 (READ-ONLY COPY).

The authoritative reference and input builder live on the scoring server;
editing this copy changes nothing except your own understanding.
"""

import jax, jax.numpy as jnp
import numpy as np

N = 10000
E = 320000
D = 128
HID = 128
MLP_HID = 128
K = 10


def gcn_norm(edge_index, edge_weight, n):
    # PyG gcn_norm with add_self_loops=True, fill_value=1.0
    loop = jnp.arange(n)
    row = jnp.concatenate([edge_index[0], loop])
    col = jnp.concatenate([edge_index[1], loop])
    ew = jnp.concatenate([edge_weight, jnp.ones((n,), edge_weight.dtype)])
    deg = jnp.zeros((n,), ew.dtype).at[col].add(ew)
    dis = jnp.where(deg > 0, 1.0 / jnp.sqrt(deg), 0.0)
    norm = dis[row] * ew * dis[col]
    return row, col, norm


def gcn_conv(h, row, col, norm, W, b):
    hw = h @ W
    out = jnp.zeros((h.shape[0], W.shape[1]), h.dtype).at[col].add(norm[:, None] * hw[row])
    return out + b


def setup_inputs(seed: int = 0) -> dict:
    key = jax.random.key(seed)
    ks = jax.random.split(key, 12)
    x = jax.random.normal(ks[0], (N, D), jnp.float32)
    edge_index = jax.random.randint(ks[1], (2, E), 0, N).astype(jnp.int64)
    edge_attr = jax.random.uniform(ks[2], (E,), jnp.float32)
    A = jax.random.uniform(ks[3], (N, N), jnp.float32)

    def lin_init(k, fan_in, fan_out):
        s = 1.0 / np.sqrt(fan_in)
        kw, kb = jax.random.split(k)
        W = jax.random.uniform(kw, (fan_in, fan_out), jnp.float32, -s, s)
        b = jax.random.uniform(kb, (fan_out,), jnp.float32, -s, s)
        return W, b

    W1, b1 = lin_init(ks[4], D, HID)
    W2, b2 = lin_init(ks[5], HID, HID)
    Wm1, bm1 = lin_init(ks[6], HID, MLP_HID)
    Wm2, bm2 = lin_init(ks[7], MLP_HID, K)
    return {"x": x, "edge_index": edge_index, "edge_attr": edge_attr, "A": A,
            "W1": W1, "b1": b1, "W2": W2, "b2": b2,
            "Wm1": Wm1, "bm1": bm1, "Wm2": Wm2, "bm2": bm2}


def reference(x, edge_index, edge_attr, A, W1, b1, W2, b2, Wm1, bm1, Wm2, bm2):
    n = x.shape[0]
    row, col, norm = gcn_norm(edge_index, edge_attr, n)
    # pyg_nn.GCN(num_layers=2, act='relu'): relu between layers, none after last
    h = gcn_conv(x, row, col, norm, W1, b1)
    h = jax.nn.relu(h)
    h = gcn_conv(h, row, col, norm, W2, b2)
    # forward: x = F.elu(x)
    h = jax.nn.elu(h)
    # mlp: Linear -> ELU -> Dropout(eval: identity) -> Linear
    Hcl = jax.nn.elu(h @ Wm1 + bm1) @ Wm2 + bm2
    S = jax.nn.softmax(Hcl, axis=-1)
    return (A, S)

if __name__ == "__main__":
    import jax
    _d = setup_inputs()
    print(jax.jit(kernel)(*tuple(_d.values())))

</pallas_src>

<mosaic_0001>
#map = affine_map<(d0, d1) -> (0, 0)>
#map1 = affine_map<(d0, d1) -> (0)>
module attributes {stable_mosaic.version = 14 : i64} {
  func.func @_deg_kernel(%arg0: i32, %arg1: i32, %arg2: memref<4000x80xi32, #tpu.memory_space<hbm>>, %arg3: memref<4000x80xf32, #tpu.memory_space<hbm>>, %arg4: memref<10000xf32, #tpu.memory_space<hbm>>, %arg5: memref<2x10000xf32, #tpu.memory_space<hbm>>, %arg6: memref<80xi32, #tpu.memory_space<vmem>>, %arg7: memref<80xf32, #tpu.memory_space<vmem>>, %arg8: memref<10000xf32, #tpu.memory_space<vmem_shared>>) attributes {dimension_semantics = [#tpu.dimension_semantics<core_parallel>, #tpu.dimension_semantics<subcore_parallel>], iteration_bounds = array<i64: 2, 16>, scalar_prefetch = 0 : i64, scratch_operands = 3 : i64, tpu.core_type = #tpu.core_type<sc_vector_subcore>, window_params = [{transform_indices = #map}, {transform_indices = #map}, {transform_indices = #map1}, {transform_indices = #map}]} {
    %mul3A = arith.constant 2 : i32
    %mul3A_0 = arith.muli %arg1, %mul3A : i32
    %add3A = arith.addi %mul3A_0, %arg0 : i32
    %eq3A = arith.constant 0 : i32
    %eq3A_1 = arith.cmpi eq, %arg1, %eq3A : i32
    %convert_element_type3A = arith.extui %eq3A_1 : i1 to i32
    %cond3A = arith.constant 0 : i32
    %cond3A_2 = arith.cmpi ne, %convert_element_type3A, %cond3A : i32
    scf.if %cond3A_2 {
      "tpu.region"() ({
        %run_scoped3A = tpu.sem_alloc : memref<!tpu.dma_semaphore, #tpu.memory_space<semaphore_mem>>
        tpu.enqueue_dma source(%arg4 : memref<10000xf32, #tpu.memory_space<hbm>>) target(%arg8 : memref<10000xf32, #tpu.memory_space<vmem_shared>>) target_semaphore(%run_scoped3A : memref<!tpu.dma_semaphore, #tpu.memory_space<semaphore_mem>>)
        tpu.wait_dma2 semaphore(%run_scoped3A : memref<!tpu.dma_semaphore, #tpu.memory_space<semaphore_mem>>) src(%arg4 : memref<10000xf32, #tpu.memory_space<hbm>>) dst(%arg8 : memref<10000xf32, #tpu.memory_space<vmem_shared>>)
        tpu.yield
      }) : () -> ()
    } else {
    }
    %barrier3A = arith.constant 0 : index
    tpu.barrier barrier_id(%barrier3A)
    %scan3A = arith.constant 0 : i32
    %scan3A_3 = arith.constant 0 : i32
    %scan3A_4 = arith.constant 125 : i32
    %scan3A_5 = arith.addi %scan3A_3, %scan3A_4 : i32
    %scan3A_6 = arith.constant 1 : i32
    scf.for %scan3A_14 = %scan3A_3 to %scan3A_5 step %scan3A_6  : i32 {
      %mul3A_15 = arith.constant 125 : i32
      %mul3A_16 = arith.muli %add3A, %mul3A_15 : i32
      %add3A_17 = arith.addi %mul3A_16, %scan3A_14 : i32
      "tpu.region"() ({
        %run_scoped3A = tpu.sem_alloc : memref<!tpu.dma_semaphore, #tpu.memory_space<semaphore_mem>>
        %dma_start3A = arith.constant 0 : i32
        %dma_start3A_18 = tpu.memref_slice %arg2[%add3A_17, %dma_start3A] : memref<4000x80xi32, #tpu.memory_space<hbm>> -> memref<1x80xi32, #tpu.memory_space<hbm>>
        %dma_start3A_19 = tpu.memref_squeeze %dma_start3A_18 : memref<1x80xi32, #tpu.memory_space<hbm>> -> memref<80xi32, #tpu.memory_space<hbm>>
        %dma_start3A_20 = arith.constant 0 : i32
        %dma_start3A_21 = tpu.memref_slice %arg2[%add3A_17, %dma_start3A_20] : memref<4000x80xi32, #tpu.memory_space<hbm>> -> memref<1x80xi32, #tpu.memory_space<hbm>>
        %dma_start3A_22 = tpu.memref_squeeze %dma_start3A_21 : memref<1x80xi32, #tpu.memory_space<hbm>> -> memref<80xi32, #tpu.memory_space<hbm>>
        tpu.enqueue_dma source(%dma_start3A_22 : memref<80xi32, #tpu.memory_space<hbm>>) target(%arg6 : memref<80xi32, #tpu.memory_space<vmem>>) target_semaphore(%run_scoped3A : memref<!tpu.dma_semaphore, #tpu.memory_space<semaphore_mem>>)
        %dma_wait3A = arith.constant 0 : i32
        %dma_wait3A_23 = tpu.memref_slice %arg2[%add3A_17, %dma_wait3A] : memref<4000x80xi32, #tpu.memory_space<hbm>> -> memref<1x80xi32, #tpu.memory_space<hbm>>
        %dma_wait3A_24 = tpu.memref_squeeze %dma_wait3A_23 : memref<1x80xi32, #tpu.memory_space<hbm>> -> memref<80xi32, #tpu.memory_space<hbm>>
        %dma_wait3A_25 = arith.constant 0 : i32
        %dma_wait3A_26 = tpu.memref_slice %arg2[%add3A_17, %dma_wait3A_25] : memref<4000x80xi32, #tpu.memory_space<hbm>> -> memref<1x80xi32, #tpu.memory_space<hbm>>
        %dma_wait3A_27 = tpu.memref_squeeze %dma_wait3A_26 : memref<1x80xi32, #tpu.memory_space<hbm>> -> memref<80xi32, #tpu.memory_space<hbm>>
        tpu.wait_dma2 semaphore(%run_scoped3A : memref<!tpu.dma_semaphore, #tpu.memory_space<semaphore_mem>>) src(%dma_wait3A_27 : memref<80xi32, #tpu.memory_space<hbm>>) dst(%arg6 : memref<80xi32, #tpu.memory_space<vmem>>)
        tpu.yield
      }) : () -> ()
      "tpu.region"() ({
        %run_scoped3A = tpu.sem_alloc : memref<!tpu.dma_semaphore, #tpu.memory_space<semaphore_mem>>
        %dma_start3A = arith.constant 0 : i32
        %dma_start3A_18 = tpu.memref_slice %arg3[%add3A_17, %dma_start3A] : memref<4000x80xf32, #tpu.memory_space<hbm>> -> memref<1x80xf32, #tpu.memory_space<hbm>>
        %dma_start3A_19 = tpu.memref_squeeze %dma_start3A_18 : memref<1x80xf32, #tpu.memory_space<hbm>> -> memref<80xf32, #tpu.memory_space<hbm>>
        %dma_start3A_20 = arith.constant 0 : i32
        %dma_start3A_21 = tpu.memref_slice %arg3[%add3A_17, %dma_start3A_20] : memref<4000x80xf32, #tpu.memory_space<hbm>> -> memref<1x80xf32, #tpu.memory_space<hbm>>
        %dma_start3A_22 = tpu.memref_squeeze %dma_start3A_21 : memref<1x80xf32, #tpu.memory_space<hbm>> -> memref<80xf32, #tpu.memory_space<hbm>>
        tpu.enqueue_dma source(%dma_start3A_22 : memref<80xf32, #tpu.memory_space<hbm>>) target(%arg7 : memref<80xf32, #tpu.memory_space<vmem>>) target_semaphore(%run_scoped3A : memref<!tpu.dma_semaphore, #tpu.memory_space<semaphore_mem>>)
        %dma_wait3A = arith.constant 0 : i32
        %dma_wait3A_23 = tpu.memref_slice %arg3[%add3A_17, %dma_wait3A] : memref<4000x80xf32, #tpu.memory_space<hbm>> -> memref<1x80xf32, #tpu.memory_space<hbm>>
        %dma_wait3A_24 = tpu.memref_squeeze %dma_wait3A_23 : memref<1x80xf32, #tpu.memory_space<hbm>> -> memref<80xf32, #tpu.memory_space<hbm>>
        %dma_wait3A_25 = arith.constant 0 : i32
        %dma_wait3A_26 = tpu.memref_slice %arg3[%add3A_17, %dma_wait3A_25] : memref<4000x80xf32, #tpu.memory_space<hbm>> -> memref<1x80xf32, #tpu.memory_space<hbm>>
        %dma_wait3A_27 = tpu.memref_squeeze %dma_wait3A_26 : memref<1x80xf32, #tpu.memory_space<hbm>> -> memref<80xf32, #tpu.memory_space<hbm>>
        tpu.wait_dma2 semaphore(%run_scoped3A : memref<!tpu.dma_semaphore, #tpu.memory_space<semaphore_mem>>) src(%dma_wait3A_27 : memref<80xf32, #tpu.memory_space<hbm>>) dst(%arg7 : memref<80xf32, #tpu.memory_space<vmem>>)
        tpu.yield
      }) : () -> ()
      "tpu.region"() ({
        %run_scoped3A = tpu.sem_alloc : memref<!tpu.dma_semaphore, #tpu.memory_space<semaphore_mem>>
        %dma_start3A = arith.constant 0 : i32
        %dma_start3A_18 = tpu.memref_slice %arg8[%dma_start3A] : memref<10000xf32, #tpu.memory_space<vmem_shared>> -> memref<10000xf32, #tpu.memory_space<vmem_shared>>
        tpu.enqueue_indirect_dma source(%arg7 : memref<80xf32, #tpu.memory_space<vmem>>) target(%dma_start3A_18 : memref<10000xf32, #tpu.memory_space<vmem_shared>>) offsets(%arg6 : memref<80xi32, #tpu.memory_space<vmem>>) semaphore(%run_scoped3A : memref<!tpu.dma_semaphore, #tpu.memory_space<semaphore_mem>>) {add = true}
        %dma_wait3A = arith.constant 0 : i32
        %dma_wait3A_19 = tpu.memref_slice %arg8[%dma_wait3A] : memref<10000xf32, #tpu.memory_space<vmem_shared>> -> memref<10000xf32, #tpu.memory_space<vmem_shared>>
        tpu.wait_indirect_dma semaphore(%run_scoped3A : memref<!tpu.dma_semaphore, #tpu.memory_space<semaphore_mem>>) src(%arg7 : memref<80xf32, #tpu.memory_space<vmem>>) dst(%dma_wait3A_19 : memref<10000xf32, #tpu.memory_space<vmem_shared>>)
        tpu.yield
      }) : () -> ()
    }
    %scan3A_7 = arith.constant 125 : i32
    %barrier3A_8 = arith.constant 0 : index
    tpu.barrier barrier_id(%barrier3A_8)
    %eq3A_9 = arith.constant 0 : i32
    %eq3A_10 = arith.cmpi eq, %arg1, %eq3A_9 : i32
    %convert_element_type3A_11 = arith.extui %eq3A_10 : i1 to i32
    %cond3A_12 = arith.constant 0 : i32
    %cond3A_13 = arith.cmpi ne, %convert_element_type3A_11, %cond3A_12 : i32
    scf.if %cond3A_13 {
      "tpu.region"() ({
        %run_scoped3A = tpu.sem_alloc : memref<!tpu.dma_semaphore, #tpu.memory_space<semaphore_mem>>
        %dma_start3A = arith.constant 0 : i32
        %dma_start3A_14 = tpu.memref_slice %arg5[%arg0, %dma_start3A] : memref<2x10000xf32, #tpu.memory_space<hbm>> -> memref<1x10000xf32, #tpu.memory_space<hbm>>
        %dma_start3A_15 = tpu.memref_squeeze %dma_start3A_14 : memref<1x10000xf32, #tpu.memory_space<hbm>> -> memref<10000xf32, #tpu.memory_space<hbm>>
        tpu.enqueue_dma source(%arg8 : memref<10000xf32, #tpu.memory_space<vmem_shared>>) target(%dma_start3A_15 : memref<10000xf32, #tpu.memory_space<hbm>>) target_semaphore(%run_scoped3A : memref<!tpu.dma_semaphore, #tpu.memory_space<semaphore_mem>>)
        %dma_wait3A = arith.constant 0 : i32
        %dma_wait3A_16 = tpu.memref_slice %arg5[%arg0, %dma_wait3A] : memref<2x10000xf32, #tpu.memory_space<hbm>> -> memref<1x10000xf32, #tpu.memory_space<hbm>>
        %dma_wait3A_17 = tpu.memref_squeeze %dma_wait3A_16 : memref<1x10000xf32, #tpu.memory_space<hbm>> -> memref<10000xf32, #tpu.memory_space<hbm>>
        tpu.wait_dma2 semaphore(%run_scoped3A : memref<!tpu.dma_semaphore, #tpu.memory_space<semaphore_mem>>) src(%arg8 : memref<10000xf32, #tpu.memory_space<vmem_shared>>) dst(%dma_wait3A_17 : memref<10000xf32, #tpu.memory_space<hbm>>)
        tpu.yield
      }) : () -> ()
    } else {
    }
    return
  }
}

#map = affine_map<(d0, d1) -> (0, 0)>
#map1 = affine_map<(d0, d1) -> (0, 0, 0)>
module attributes {stable_mosaic.version = 14 : i64} {
  func.func @_edge_kernel(%arg0: i32, %arg1: i32, %arg2: memref<10000x128xf32, #tpu.memory_space<hbm>>, %arg3: memref<4000x80xi32, #tpu.memory_space<hbm>>, %arg4: memref<4000x80xi32, #tpu.memory_space<hbm>>, %arg5: memref<4000x80x16xf32, #tpu.memory_space<hbm>>, %arg6: memref<640x128xf32, #tpu.memory_space<hbm>>, %arg7: memref<2x10240x128xf32, #tpu.memory_space<hbm>>, %arg8: memref<80xi32, #tpu.memory_space<vmem>>, %arg9: memref<80xi32, #tpu.memory_space<vmem>>, %arg10: memref<80x16xf32, #tpu.memory_space<vmem>>, %arg11: memref<80x128xf32, #tpu.memory_space<vmem>>, %arg12: memref<10240x128xf32, #tpu.memory_space<vmem_shared>>, %arg13: memref<!tpu.dma_semaphore, #tpu.memory_space<semaphore_mem>>) attributes {dimension_semantics = [#tpu.dimension_semantics<core_parallel>, #tpu.dimension_semantics<subcore_parallel>], iteration_bounds = array<i64: 2, 16>, scalar_prefetch = 0 : i64, scratch_operands = 6 : i64, tpu.core_type = #tpu.core_type<sc_vector_subcore>, window_params = [{transform_indices = #map}, {transform_indices = #map}, {transform_indices = #map}, {transform_indices = #map1}, {transform_indices = #map}, {transform_indices = #map1}]} {
    %mul3A = arith.constant 2 : i32
    %mul3A_0 = arith.muli %arg1, %mul3A : i32
    %add3A = arith.addi %mul3A_0, %arg0 : i32
    %mul3A_1 = arith.constant 640 : i32
    %mul3A_2 = arith.muli %arg1, %mul3A_1 : i32
    "tpu.region"() ({
      %run_scoped3A = tpu.sem_alloc : memref<!tpu.dma_semaphore, #tpu.memory_space<semaphore_mem>>
      %dma_start3A = arith.constant 0 : i32
      %dma_start3A_13 = tpu.memref_slice %arg12[%mul3A_2, %dma_start3A] : memref<10240x128xf32, #tpu.memory_space<vmem_shared>> -> memref<640x128xf32, #tpu.memory_space<vmem_shared>>
      tpu.enqueue_dma source(%arg6 : memref<640x128xf32, #tpu.memory_space<hbm>>) target(%dma_start3A_13 : memref<640x128xf32, #tpu.memory_space<vmem_shared>>) target_semaphore(%run_scoped3A : memref<!tpu.dma_semaphore, #tpu.memory_space<semaphore_mem>>)
      %dma_wait3A = arith.constant 0 : i32
      %dma_wait3A_14 = tpu.memref_slice %arg12[%mul3A_2, %dma_wait3A] : memref<10240x128xf32, #tpu.memory_space<vmem_shared>> -> memref<640x128xf32, #tpu.memory_space<vmem_shared>>
      tpu.wait_dma2 semaphore(%run_scoped3A : memref<!tpu.dma_semaphore, #tpu.memory_space<semaphore_mem>>) src(%arg6 : memref<640x128xf32, #tpu.memory_space<hbm>>) dst(%dma_wait3A_14 : memref<640x128xf32, #tpu.memory_space<vmem_shared>>)
      tpu.yield
    }) : () -> ()
    %barrier3A = arith.constant 0 : index
    tpu.barrier barrier_id(%barrier3A)
    %scan3A = arith.constant 0 : i32
    %scan3A_3 = arith.constant 0 : i32
    %scan3A_4 = arith.constant 125 : i32
    %scan3A_5 = arith.addi %scan3A_3, %scan3A_4 : i32
    %scan3A_6 = arith.constant 1 : i32
    scf.for %scan3A_13 = %scan3A_3 to %scan3A_5 step %scan3A_6  : i32 {
      %mul3A_14 = arith.constant 125 : i32
      %mul3A_15 = arith.muli %add3A, %mul3A_14 : i32
      %add3A_16 = arith.addi %mul3A_15, %scan3A_13 : i32
      "tpu.region"() ({
        %run_scoped3A = tpu.sem_alloc : memref<!tpu.dma_semaphore, #tpu.memory_space<semaphore_mem>>
        %dma_start3A_27 = arith.constant 0 : i32
        %dma_start3A_28 = tpu.memref_slice %arg3[%add3A_16, %dma_start3A_27] : memref<4000x80xi32, #tpu.memory_space<hbm>> -> memref<1x80xi32, #tpu.memory_space<hbm>>
        %dma_start3A_29 = tpu.memref_squeeze %dma_start3A_28 : memref<1x80xi32, #tpu.memory_space<hbm>> -> memref<80xi32, #tpu.memory_space<hbm>>
        %dma_start3A_30 = arith.constant 0 : i32
        %dma_start3A_31 = tpu.memref_slice %arg3[%add3A_16, %dma_start3A_30] : memref<4000x80xi32, #tpu.memory_space<hbm>> -> memref<1x80xi32, #tpu.memory_space<hbm>>
        %dma_start3A_32 = tpu.memref_squeeze %dma_start3A_31 : memref<1x80xi32, #tpu.memory_space<hbm>> -> memref<80xi32, #tpu.memory_space<hbm>>
        tpu.enqueue_dma source(%dma_start3A_32 : memref<80xi32, #tpu.memory_space<hbm>>) target(%arg8 : memref<80xi32, #tpu.memory_space<vmem>>) target_semaphore(%run_scoped3A : memref<!tpu.dma_semaphore, #tpu.memory_space<semaphore_mem>>)
        %dma_wait3A_33 = arith.constant 0 : i32
        %dma_wait3A_34 = tpu.memref_slice %arg3[%add3A_16, %dma_wait3A_33] : memref<4000x80xi32, #tpu.memory_space<hbm>> -> memref<1x80xi32, #tpu.memory_space<hbm>>
        %dma_wait3A_35 = tpu.memref_squeeze %dma_wait3A_34 : memref<1x80xi32, #tpu.memory_space<hbm>> -> memref<80xi32, #tpu.memory_space<hbm>>
        %dma_wait3A_36 = arith.constant 0 : i32
        %dma_wait3A_37 = tpu.memref_slice %arg3[%add3A_16, %dma_wait3A_36] : memref<4000x80xi32, #tpu.memory_space<hbm>> -> memref<1x80xi32, #tpu.memory_space<hbm>>
        %dma_wait3A_38 = tpu.memref_squeeze %dma_wait3A_37 : memref<1x80xi32, #tpu.memory_space<hbm>> -> memref<80xi32, #tpu.memory_space<hbm>>
        tpu.wait_dma2 semaphore(%run_scoped3A : memref<!tpu.dma_semaphore, #tpu.memory_space<semaphore_mem>>) src(%dma_wait3A_38 : memref<80xi32, #tpu.memory_space<hbm>>) dst(%arg8 : memref<80xi32, #tpu.memory_space<vmem>>)
        tpu.yield
      }) : () -> ()
      "tpu.region"() ({
        %run_scoped3A = tpu.sem_alloc : memref<!tpu.dma_semaphore, #tpu.memory_space<semaphore_mem>>
        %dma_start3A_27 = arith.constant 0 : i32
        %dma_start3A_28 = tpu.memref_slice %arg4[%add3A_16, %dma_start3A_27] : memref<4000x80xi32, #tpu.memory_space<hbm>> -> memref<1x80xi32, #tpu.memory_space<hbm>>
        %dma_start3A_29 = tpu.memref_squeeze %dma_start3A_28 : memref<1x80xi32, #tpu.memory_space<hbm>> -> memref<80xi32, #tpu.memory_space<hbm>>
        %dma_start3A_30 = arith.constant 0 : i32
        %dma_start3A_31 = tpu.memref_slice %arg4[%add3A_16, %dma_start3A_30] : memref<4000x80xi32, #tpu.memory_space<hbm>> -> memref<1x80xi32, #tpu.memory_space<hbm>>
        %dma_start3A_32 = tpu.memref_squeeze %dma_start3A_31 : memref<1x80xi32, #tpu.memory_space<hbm>> -> memref<80xi32, #tpu.memory_space<hbm>>
        tpu.enqueue_dma source(%dma_start3A_32 : memref<80xi32, #tpu.memory_space<hbm>>) target(%arg9 : memref<80xi32, #tpu.memory_space<vmem>>) target_semaphore(%run_scoped3A : memref<!tpu.dma_semaphore, #tpu.memory_space<semaphore_mem>>)
        %dma_wait3A_33 = arith.constant 0 : i32
        %dma_wait3A_34 = tpu.memref_slice %arg4[%add3A_16, %dma_wait3A_33] : memref<4000x80xi32, #tpu.memory_space<hbm>> -> memref<1x80xi32, #tpu.memory_space<hbm>>
        %dma_wait3A_35 = tpu.memref_squeeze %dma_wait3A_34 : memref<1x80xi32, #tpu.memory_space<hbm>> -> memref<80xi32, #tpu.memory_space<hbm>>
        %dma_wait3A_36 = arith.constant 0 : i32
        %dma_wait3A_37 = tpu.memref_slice %arg4[%add3A_16, %dma_wait3A_36] : memref<4000x80xi32, #tpu.memory_space<hbm>> -> memref<1x80xi32, #tpu.memory_space<hbm>>
        %dma_wait3A_38 = tpu.memref_squeeze %dma_wait3A_37 : memref<1x80xi32, #tpu.memory_space<hbm>> -> memref<80xi32, #tpu.memory_space<hbm>>
        tpu.wait_dma2 semaphore(%run_scoped3A : memref<!tpu.dma_semaphore, #tpu.memory_space<semaphore_mem>>) src(%dma_wait3A_38 : memref<80xi32, #tpu.memory_space<hbm>>) dst(%arg9 : memref<80xi32, #tpu.memory_space<vmem>>)
        tpu.yield
      }) : () -> ()
      "tpu.region"() ({
        %run_scoped3A = tpu.sem_alloc : memref<!tpu.dma_semaphore, #tpu.memory_space<semaphore_mem>>
        %dma_start3A_27 = arith.constant 0 : i32
        %dma_start3A_28 = arith.constant 0 : i32
        %dma_start3A_29 = tpu.memref_slice %arg5[%add3A_16, %dma_start3A_27, %dma_start3A_28] : memref<4000x80x16xf32, #tpu.memory_space<hbm>> -> memref<1x80x16xf32, #tpu.memory_space<hbm>>
        %dma_start3A_30 = tpu.memref_squeeze %dma_start3A_29 : memref<1x80x16xf32, #tpu.memory_space<hbm>> -> memref<80x16xf32, #tpu.memory_space<hbm>>
        %dma_start3A_31 = arith.constant 0 : i32
        %dma_start3A_32 = arith.constant 0 : i32
        %dma_start3A_33 = tpu.memref_slice %arg5[%add3A_16, %dma_start3A_31, %dma_start3A_32] : memref<4000x80x16xf32, #tpu.memory_space<hbm>> -> memref<1x80x16xf32, #tpu.memory_space<hbm>>
        %dma_start3A_34 = tpu.memref_squeeze %dma_start3A_33 : memref<1x80x16xf32, #tpu.memory_space<hbm>> -> memref<80x16xf32, #tpu.memory_space<hbm>>
        tpu.enqueue_dma source(%dma_start3A_34 : memref<80x16xf32, #tpu.memory_space<hbm>>) target(%arg10 : memref<80x16xf32, #tpu.memory_space<vmem>>) target_semaphore(%run_scoped3A : memref<!tpu.dma_semaphore, #tpu.memory_space<semaphore_mem>>)
        %dma_wait3A_35 = arith.constant 0 : i32
        %dma_wait3A_36 = arith.constant 0 : i32
        %dma_wait3A_37 = tpu.memref_slice %arg5[%add3A_16, %dma_wait3A_35, %dma_wait3A_36] : memref<4000x80x16xf32, #tpu.memory_space<hbm>> -> memref<1x80x16xf32, #tpu.memory_space<hbm>>
        %dma_wait3A_38 = tpu.memref_squeeze %dma_wait3A_37 : memref<1x80x16xf32, #tpu.memory_space<hbm>> -> memref<80x16xf32, #tpu.memory_space<hbm>>
        %dma_wait3A_39 = arith.constant 0 : i32
        %dma_wait3A_40 = arith.constant 0 : i32
        %dma_wait3A_41 = tpu.memref_slice %arg5[%add3A_16, %dma_wait3A_39, %dma_wait3A_40] : memref<4000x80x16xf32, #tpu.memory_space<hbm>> -> memref<1x80x16xf32, #tpu.memory_space<hbm>>
        %dma_wait3A_42 = tpu.memref_squeeze %dma_wait3A_41 : memref<1x80x16xf32, #tpu.memory_space<hbm>> -> memref<80x16xf32, #tpu.memory_space<hbm>>
        tpu.wait_dma2 semaphore(%run_scoped3A : memref<!tpu.dma_semaphore, #tpu.memory_space<semaphore_mem>>) src(%dma_wait3A_42 : memref<80x16xf32, #tpu.memory_space<hbm>>) dst(%arg10 : memref<80x16xf32, #tpu.memory_space<vmem>>)
        tpu.yield
      }) : () -> ()
      %dma_start3A = arith.constant 0 : i32
      %dma_start3A_17 = arith.constant 0 : i32
      %dma_start3A_18 = tpu.memref_slice %arg2[%dma_start3A, %dma_start3A_17] : memref<10000x128xf32, #tpu.memory_space<hbm>> -> memref<10000x128xf32, #tpu.memory_space<hbm>>
      tpu.enqueue_indirect_dma source(%dma_start3A_18 : memref<10000x128xf32, #tpu.memory_space<hbm>>) target(%arg11 : memref<80x128xf32, #tpu.memory_space<vmem>>) offsets(%arg8 : memref<80xi32, #tpu.memory_space<vmem>>) semaphore(%arg13 : memref<!tpu.dma_semaphore, #tpu.memory_space<semaphore_mem>>)
      %dma_wait3A = arith.constant 0 : i32
      %dma_wait3A_19 = arith.constant 0 : i32
      %dma_wait3A_20 = tpu.memref_slice %arg2[%dma_wait3A, %dma_wait3A_19] : memref<10000x128xf32, #tpu.memory_space<hbm>> -> memref<10000x128xf32, #tpu.memory_space<hbm>>
      tpu.wait_indirect_dma semaphore(%arg13 : memref<!tpu.dma_semaphore, #tpu.memory_space<semaphore_mem>>) src(%dma_wait3A_20 : memref<10000x128xf32, #tpu.memory_space<hbm>>) dst(%arg11 : memref<80x128xf32, #tpu.memory_space<vmem>>)
      %scan3A_21 = arith.constant 0 : i32
      %scan3A_22 = arith.constant 0 : i32
      %scan3A_23 = arith.constant 80 : i32
      %scan3A_24 = arith.addi %scan3A_22, %scan3A_23 : i32
      %scan3A_25 = arith.constant 1 : i32
      scf.for %scan3A_27 = %scan3A_22 to %scan3A_24 step %scan3A_25  : i32 {
        %get3A = arith.index_cast %scan3A_27 : i32 to index
        %get3A_28 = arith.constant 0 : index
        %get3A_29 = tpu.vector_load %arg10[%get3A, %get3A_28] {strides = array<i32>} : memref<80x16xf32, #tpu.memory_space<vmem>>, vector<1x16xf32>,
        %get3A_30 = vector.shape_cast %get3A_29 : vector<1x16xf32> to vector<16xf32>
        %get3A_31 = arith.index_cast %scan3A_27 : i32 to index
        %get3A_32 = arith.constant 0 : index
        %get3A_33 = tpu.vector_load %arg11[%get3A_31, %get3A_32] {strides = array<i32>} : memref<80x128xf32, #tpu.memory_space<vmem>>, vector<1x16xf32>,
        %get3A_34 = vector.shape_cast %get3A_33 : vector<1x16xf32> to vector<16xf32>
        %mul3A_35 = arith.mulf %get3A_34, %get3A_30 : vector<16xf32>
        %swap3A = arith.index_cast %scan3A_27 : i32 to index
        %swap3A_36 = arith.constant 0 : index
        %swap3A_37 = tpu.vector_load %arg11[%swap3A, %swap3A_36] {strides = array<i32>} : memref<80x128xf32, #tpu.memory_space<vmem>>, vector<1x16xf32>,
        %swap3A_38 = vector.shape_cast %swap3A_37 : vector<1x16xf32> to vector<16xf32>
        %swap3A_39 = vector.shape_cast %mul3A_35 : vector<16xf32> to vector<1x16xf32>
        tpu.vector_store %arg11[%swap3A, %swap3A_36], %swap3A_39 {strides = array<i32>} : memref<80x128xf32, #tpu.memory_space<vmem>>, vector<1x16xf32>,
        %get3A_40 = arith.index_cast %scan3A_27 : i32 to index
        %get3A_41 = arith.constant 16 : index
        %get3A_42 = tpu.vector_load %arg11[%get3A_40, %get3A_41] {strides = array<i32>} : memref<80x128xf32, #tpu.memory_space<vmem>>, vector<1x16xf32>,
        %get3A_43 = vector.shape_cast %get3A_42 : vector<1x16xf32> to vector<16xf32>
        %mul3A_44 = arith.mulf %get3A_43, %get3A_30 : vector<16xf32>
        %swap3A_45 = arith.index_cast %scan3A_27 : i32 to index
        %swap3A_46 = arith.constant 16 : index
        %swap3A_47 = tpu.vector_load %arg11[%swap3A_45, %swap3A_46] {strides = array<i32>} : memref<80x128xf32, #tpu.memory_space<vmem>>, vector<1x16xf32>,
        %swap3A_48 = vector.shape_cast %swap3A_47 : vector<1x16xf32> to vector<16xf32>
        %swap3A_49 = vector.shape_cast %mul3A_44 : vector<16xf32> to vector<1x16xf32>
        tpu.vector_store %arg11[%swap3A_45, %swap3A_46], %swap3A_49 {strides = array<i32>} : memref<80x128xf32, #tpu.memory_space<vmem>>, vector<1x16xf32>,
        %get3A_50 = arith.index_cast %scan3A_27 : i32 to index
        %get3A_51 = arith.constant 32 : index
        %get3A_52 = tpu.vector_load %arg11[%get3A_50, %get3A_51] {strides = array<i32>} : memref<80x128xf32, #tpu.memory_space<vmem>>, vector<1x16xf32>,
        %get3A_53 = vector.shape_cast %get3A_52 : vector<1x16xf32> to vector<16xf32>
        %mul3A_54 = arith.mulf %get3A_53, %get3A_30 : vector<16xf32>
        %swap3A_55 = arith.index_cast %scan3A_27 : i32 to index
        %swap3A_56 = arith.constant 32 : index
        %swap3A_57 = tpu.vector_load %arg11[%swap3A_55, %swap3A_56] {strides = array<i32>} : memref<80x128xf32, #tpu.memory_space<vmem>>, vector<1x16xf32>,
        %swap3A_58 = vector.shape_cast %swap3A_57 : vector<1x16xf32> to vector<16xf32>
        %swap3A_59 = vector.shape_cast %mul3A_54 : vector<16xf32> to vector<1x16xf32>
        tpu.vector_store %arg11[%swap3A_55, %swap3A_56], %swap3A_59 {strides = array<i32>} : memref<80x128xf32, #tpu.memory_space<vmem>>, vector<1x16xf32>,
        %get3A_60 = arith.index_cast %scan3A_27 : i32 to index
        %get3A_61 = arith.constant 48 : index
        %get3A_62 = tpu.vector_load %arg11[%get3A_60, %get3A_61] {strides = array<i32>} : memref<80x128xf32, #tpu.memory_space<vmem>>, vector<1x16xf32>,
        %get3A_63 = vector.shape_cast %get3A_62 : vector<1x16xf32> to vector<16xf32>
        %mul3A_64 = arith.mulf %get3A_63, %get3A_30 : vector<16xf32>
        %swap3A_65 = arith.index_cast %scan3A_27 : i32 to index
        %swap3A_66 = arith.constant 48 : index
        %swap3A_67 = tpu.vector_load %arg11[%swap3A_65, %swap3A_66] {strides = array<i32>} : memref<80x128xf32, #tpu.memory_space<vmem>>, vector<1x16xf32>,
        %swap3A_68 = vector.shape_cast %swap3A_67 : vector<1x16xf32> to vector<16xf32>
        %swap3A_69 = vector.shape_cast %mul3A_64 : vector<16xf32> to vector<1x16xf32>
        tpu.vector_store %arg11[%swap3A_65, %swap3A_66], %swap3A_69 {strides = array<i32>} : memref<80x128xf32, #tpu.memory_space<vmem>>, vector<1x16xf32>,
        %get3A_70 = arith.index_cast %scan3A_27 : i32 to index
        %get3A_71 = arith.constant 64 : index
        %get3A_72 = tpu.vector_load %arg11[%get3A_70, %get3A_71] {strides = array<i32>} : memref<80x128xf32, #tpu.memory_space<vmem>>, vector<1x16xf32>,
        %get3A_73 = vector.shape_cast %get3A_72 : vector<1x16xf32> to vector<16xf32>
        %mul3A_74 = arith.mulf %get3A_73, %get3A_30 : vector<16xf32>
        %swap3A_75 = arith.index_cast %scan3A_27 : i32 to index
        %swap3A_76 = arith.constant 64 : index
        %swap3A_77 = tpu.vector_load %arg11[%swap3A_75, %swap3A_76] {strides = array<i32>} : memref<80x128xf32, #tpu.memory_space<vmem>>, vector<1x16xf32>,
        %swap3A_78 = vector.shape_cast %swap3A_77 : vector<1x16xf32> to vector<16xf32>
        %swap3A_79 = vector.shape_cast %mul3A_74 : vector<16xf32> to vector<1x16xf32>
        tpu.vector_store %arg11[%swap3A_75, %swap3A_76], %swap3A_79 {strides = array<i32>} : memref<80x128xf32, #tpu.memory_space<vmem>>, vector<1x16xf32>,
        %get3A_80 = arith.index_cast %scan3A_27 : i32 to index
        %get3A_81 = arith.constant 80 : index
        %get3A_82 = tpu.vector_load %arg11[%get3A_80, %get3A_81] {strides = array<i32>} : memref<80x128xf32, #tpu.memory_space<vmem>>, vector<1x16xf32>,
        %get3A_83 = vector.shape_cast %get3A_82 : vector<1x16xf32> to vector<16xf32>
        %mul3A_84 = arith.mulf %get3A_83, %get3A_30 : vector<16xf32>
        %swap3A_85 = arith.index_cast %scan3A_27 : i32 to index
        %swap3A_86 = arith.constant 80 : index
        %swap3A_87 = tpu.vector_load %arg11[%swap3A_85, %swap3A_86] {strides = array<i32>} : memref<80x128xf32, #tpu.memory_space<vmem>>, vector<1x16xf32>,
        %swap3A_88 = vector.shape_cast %swap3A_87 : vector<1x16xf32> to vector<16xf32>
        %swap3A_89 = vector.shape_cast %mul3A_84 : vector<16xf32> to vector<1x16xf32>
        tpu.vector_store %arg11[%swap3A_85, %swap3A_86], %swap3A_89 {strides = array<i32>} : memref<80x128xf32, #tpu.memory_space<vmem>>, vector<1x16xf32>,
        %get3A_90 = arith.index_cast %scan3A_27 : i32 to index
        %get3A_91 = arith.constant 96 : index
        %get3A_92 = tpu.vector_load %arg11[%get3A_90, %get3A_91] {strides = array<i32>} : memref<80x128xf32, #tpu.memory_space<vmem>>, vector<1x16xf32>,
        %get3A_93 = vector.shape_cast %get3A_92 : vector<1x16xf32> to vector<16xf32>
        %mul3A_94 = arith.mulf %get3A_93, %get3A_30 : vector<16xf32>
        %swap3A_95 = arith.index_cast %scan3A_27 : i32 to index
        %swap3A_96 = arith.constant 96 : index
        %swap3A_97 = tpu.vector_load %arg11[%swap3A_95, %swap3A_96] {strides = array<i32>} : memref<80x128xf32, #tpu.memory_space<vmem>>, vector<1x16xf32>,
        %swap3A_98 = vector.shape_cast %swap3A_97 : vector<1x16xf32> to vector<16xf32>
        %swap3A_99 = vector.shape_cast %mul3A_94 : vector<16xf32> to vector<1x16xf32>
        tpu.vector_store %arg11[%swap3A_95, %swap3A_96], %swap3A_99 {strides = array<i32>} : memref<80x128xf32, #tpu.memory_space<vmem>>, vector<1x16xf32>,
        %get3A_100 = arith.index_cast %scan3A_27 : i32 to index
        %get3A_101 = arith.constant 112 : index
        %get3A_102 = tpu.vector_load %arg11[%get3A_100, %get3A_101] {strides = array<i32>} : memref<80x128xf32, #tpu.memory_space<vmem>>, vector<1x16xf32>,
        %get3A_103 = vector.shape_cast %get3A_102 : vector<1x16xf32> to vector<16xf32>
        %mul3A_104 = arith.mulf %get3A_103, %get3A_30 : vector<16xf32>
        %swap3A_105 = arith.index_cast %scan3A_27 : i32 to index
        %swap3A_106 = arith.constant 112 : index
        %swap3A_107 = tpu.vector_load %arg11[%swap3A_105, %swap3A_106] {strides = array<i32>} : memref<80x128xf32, #tpu.memory_space<vmem>>, vector<1x16xf32>,
        %swap3A_108 = vector.shape_cast %swap3A_107 : vector<1x16xf32> to vector<16xf32>
        %swap3A_109 = vector.shape_cast %mul3A_104 : vector<16xf32> to vector<1x16xf32>
        tpu.vector_store %arg11[%swap3A_105, %swap3A_106], %swap3A_109 {strides = array<i32>} : memref<80x128xf32, #tpu.memory_space<vmem>>, vector<1x16xf32>,
      }
      %scan3A_26 = arith.constant 80 : i32
      "tpu.region"() ({
        %run_scoped3A = tpu.sem_alloc : memref<!tpu.dma_semaphore, #tpu.memory_space<semaphore_mem>>
        %dma_start3A_27 = arith.constant 0 : i32
        %dma_start3A_28 = arith.constant 0 : i32
        %dma_start3A_29 = tpu.memref_slice %arg12[%dma_start3A_27, %dma_start3A_28] : memref<10240x128xf32, #tpu.memory_space<vmem_shared>> -> memref<10240x128xf32, #tpu.memory_space<vmem_shared>>
        tpu.enqueue_indirect_dma source(%arg11 : memref<80x128xf32, #tpu.memory_space<vmem>>) target(%dma_start3A_29 : memref<10240x128xf32, #tpu.memory_space<vmem_shared>>) offsets(%arg9 : memref<80xi32, #tpu.memory_space<vmem>>) semaphore(%run_scoped3A : memref<!tpu.dma_semaphore, #tpu.memory_space<semaphore_mem>>) {add = true}
        %dma_wait3A_30 = arith.constant 0 : i32
        %dma_wait3A_31 = arith.constant 0 : i32
        %dma_wait3A_32 = tpu.memref_slice %arg12[%dma_wait3A_30, %dma_wait3A_31] : memref<10240x128xf32, #tpu.memory_space<vmem_shared>> -> memref<10240x128xf32, #tpu.memory_space<vmem_shared>>
        tpu.wait_indirect_dma semaphore(%run_scoped3A : memref<!tpu.dma_semaphore, #tpu.memory_space<semaphore_mem>>) src(%arg11 : memref<80x128xf32, #tpu.memory_space<vmem>>) dst(%dma_wait3A_32 : memref<10240x128xf32, #tpu.memory_space<vmem_shared>>)
        tpu.yield
      }) : () -> ()
    }
    %scan3A_7 = arith.constant 125 : i32
    %barrier3A_8 = arith.constant 0 : index
    tpu.barrier barrier_id(%barrier3A_8)
    %mul3A_9 = arith.constant 640 : i32
    %mul3A_10 = arith.muli %arg1, %mul3A_9 : i32
    %mul3A_11 = arith.constant 640 : i32
    %mul3A_12 = arith.muli %arg1, %mul3A_11 : i32
    "tpu.region"() ({
      %run_scoped3A = tpu.sem_alloc : memref<!tpu.dma_semaphore, #tpu.memory_space<semaphore_mem>>
      %dma_start3A = arith.constant 0 : i32
      %dma_start3A_13 = tpu.memref_slice %arg7[%arg0, %mul3A_12, %dma_start3A] : memref<2x10240x128xf32, #tpu.memory_space<hbm>> -> memref<1x640x128xf32, #tpu.memory_space<hbm>>
      %dma_start3A_14 = tpu.memref_squeeze %dma_start3A_13 : memref<1x640x128xf32, #tpu.memory_space<hbm>> -> memref<640x128xf32, #tpu.memory_space<hbm>>
      %dma_start3A_15 = arith.constant 0 : i32
      %dma_start3A_16 = tpu.memref_slice %arg12[%mul3A_10, %dma_start3A_15] : memref<10240x128xf32, #tpu.memory_space<vmem_shared>> -> memref<640x128xf32, #tpu.memory_space<vmem_shared>>
      tpu.enqueue_dma source(%dma_start3A_16 : memref<640x128xf32, #tpu.memory_space<vmem_shared>>) target(%dma_start3A_14 : memref<640x128xf32, #tpu.memory_space<hbm>>) target_semaphore(%run_scoped3A : memref<!tpu.dma_semaphore, #tpu.memory_space<semaphore_mem>>)
      %dma_wait3A = arith.constant 0 : i32
      %dma_wait3A_17 = tpu.memref_slice %arg7[%arg0, %mul3A_12, %dma_wait3A] : memref<2x10240x128xf32, #tpu.memory_space<hbm>> -> memref<1x640x128xf32, #tpu.memory_space<hbm>>
      %dma_wait3A_18 = tpu.memref_squeeze %dma_wait3A_17 : memref<1x640x128xf32, #tpu.memory_space<hbm>> -> memref<640x128xf32, #tpu.memory_space<hbm>>
      %dma_wait3A_19 = arith.constant 0 : i32
      %dma_wait3A_20 = tpu.memref_slice %arg12[%mul3A_10, %dma_wait3A_19] : memref<10240x128xf32, #tpu.memory_space<vmem_shared>> -> memref<640x128xf32, #tpu.memory_space<vmem_shared>>
      tpu.wait_dma2 semaphore(%run_scoped3A : memref<!tpu.dma_semaphore, #tpu.memory_space<semaphore_mem>>) src(%dma_wait3A_20 : memref<640x128xf32, #tpu.memory_space<vmem_shared>>) dst(%dma_wait3A_18 : memref<640x128xf32, #tpu.memory_space<hbm>>)
      tpu.yield
    }) : () -> ()
    return
  }
}

#map = affine_map<(d0, d1) -> (0, 0)>
#map1 = affine_map<(d0, d1) -> (0, 0, 0)>
module attributes {stable_mosaic.version = 14 : i64} {
  func.func @_edge_kernel(%arg0: i32, %arg1: i32, %arg2: memref<10000x128xf32, #tpu.memory_space<hbm>>, %arg3: memref<4000x80xi32, #tpu.memory_space<hbm>>, %arg4: memref<4000x80xi32, #tpu.memory_space<hbm>>, %arg5: memref<4000x80x16xf32, #tpu.memory_space<hbm>>, %arg6: memref<640x128xf32, #tpu.memory_space<hbm>>, %arg7: memref<2x10240x128xf32, #tpu.memory_space<hbm>>, %arg8: memref<80xi32, #tpu.memory_space<vmem>>, %arg9: memref<80xi32, #tpu.memory_space<vmem>>, %arg10: memref<80x16xf32, #tpu.memory_space<vmem>>, %arg11: memref<80x128xf32, #tpu.memory_space<vmem>>, %arg12: memref<10240x128xf32, #tpu.memory_space<vmem_shared>>, %arg13: memref<!tpu.dma_semaphore, #tpu.memory_space<semaphore_mem>>) attributes {dimension_semantics = [#tpu.dimension_semantics<core_parallel>, #tpu.dimension_semantics<subcore_parallel>], iteration_bounds = array<i64: 2, 16>, scalar_prefetch = 0 : i64, scratch_operands = 6 : i64, tpu.core_type = #tpu.core_type<sc_vector_subcore>, window_params = [{transform_indices = #map}, {transform_indices = #map}, {transform_indices = #map}, {transform_indices = #map1}, {transform_indices = #map}, {transform_indices = #map1}]} {
    %mul3A = arith.constant 2 : i32
    %mul3A_0 = arith.muli %arg1, %mul3A : i32
    %add3A = arith.addi %mul3A_0, %arg0 : i32
    %mul3A_1 = arith.constant 640 : i32
    %mul3A_2 = arith.muli %arg1, %mul3A_1 : i32
    "tpu.region"() ({
      %run_scoped3A = tpu.sem_alloc : memref<!tpu.dma_semaphore, #tpu.memory_space<semaphore_mem>>
      %dma_start3A = arith.constant 0 : i32
      %dma_start3A_13 = tpu.memref_slice %arg12[%mul3A_2, %dma_start3A] : memref<10240x128xf32, #tpu.memory_space<vmem_shared>> -> memref<640x128xf32, #tpu.memory_space<vmem_shared>>
      tpu.enqueue_dma source(%arg6 : memref<640x128xf32, #tpu.memory_space<hbm>>) target(%dma_start3A_13 : memref<640x128xf32, #tpu.memory_space<vmem_shared>>) target_semaphore(%run_scoped3A : memref<!tpu.dma_semaphore, #tpu.memory_space<semaphore_mem>>)
      %dma_wait3A = arith.constant 0 : i32
      %dma_wait3A_14 = tpu.memref_slice %arg12[%mul3A_2, %dma_wait3A] : memref<10240x128xf32, #tpu.memory_space<vmem_shared>> -> memref<640x128xf32, #tpu.memory_space<vmem_shared>>
      tpu.wait_dma2 semaphore(%run_scoped3A : memref<!tpu.dma_semaphore, #tpu.memory_space<semaphore_mem>>) src(%arg6 : memref<640x128xf32, #tpu.memory_space<hbm>>) dst(%dma_wait3A_14 : memref<640x128xf32, #tpu.memory_space<vmem_shared>>)
      tpu.yield
    }) : () -> ()
    %barrier3A = arith.constant 0 : index
    tpu.barrier barrier_id(%barrier3A)
    %scan3A = arith.constant 0 : i32
    %scan3A_3 = arith.constant 0 : i32
    %scan3A_4 = arith.constant 125 : i32
    %scan3A_5 = arith.addi %scan3A_3, %scan3A_4 : i32
    %scan3A_6 = arith.constant 1 : i32
    scf.for %scan3A_13 = %scan3A_3 to %scan3A_5 step %scan3A_6  : i32 {
      %mul3A_14 = arith.constant 125 : i32
      %mul3A_15 = arith.muli %add3A, %mul3A_14 : i32
      %add3A_16 = arith.addi %mul3A_15, %scan3A_13 : i32
      "tpu.region"() ({
        %run_scoped3A = tpu.sem_alloc : memref<!tpu.dma_semaphore, #tpu.memory_space<semaphore_mem>>
        %dma_start3A_27 = arith.constant 0 : i32
        %dma_start3A_28 = tpu.memref_slice %arg3[%add3A_16, %dma_start3A_27] : memref<4000x80xi32, #tpu.memory_space<hbm>> -> memref<1x80xi32, #tpu.memory_space<hbm>>
        %dma_start3A_29 = tpu.memref_squeeze %dma_start3A_28 : memref<1x80xi32, #tpu.memory_space<hbm>> -> memref<80xi32, #tpu.memory_space<hbm>>
        %dma_start3A_30 = arith.constant 0 : i32
        %dma_start3A_31 = tpu.memref_slice %arg3[%add3A_16, %dma_start3A_30] : memref<4000x80xi32, #tpu.memory_space<hbm>> -> memref<1x80xi32, #tpu.memory_space<hbm>>
        %dma_start3A_32 = tpu.memref_squeeze %dma_start3A_31 : memref<1x80xi32, #tpu.memory_space<hbm>> -> memref<80xi32, #tpu.memory_space<hbm>>
        tpu.enqueue_dma source(%dma_start3A_32 : memref<80xi32, #tpu.memory_space<hbm>>) target(%arg8 : memref<80xi32, #tpu.memory_space<vmem>>) target_semaphore(%run_scoped3A : memref<!tpu.dma_semaphore, #tpu.memory_space<semaphore_mem>>)
        %dma_wait3A_33 = arith.constant 0 : i32
        %dma_wait3A_34 = tpu.memref_slice %arg3[%add3A_16, %dma_wait3A_33] : memref<4000x80xi32, #tpu.memory_space<hbm>> -> memref<1x80xi32, #tpu.memory_space<hbm>>
        %dma_wait3A_35 = tpu.memref_squeeze %dma_wait3A_34 : memref<1x80xi32, #tpu.memory_space<hbm>> -> memref<80xi32, #tpu.memory_space<hbm>>
        %dma_wait3A_36 = arith.constant 0 : i32
        %dma_wait3A_37 = tpu.memref_slice %arg3[%add3A_16, %dma_wait3A_36] : memref<4000x80xi32, #tpu.memory_space<hbm>> -> memref<1x80xi32, #tpu.memory_space<hbm>>
        %dma_wait3A_38 = tpu.memref_squeeze %dma_wait3A_37 : memref<1x80xi32, #tpu.memory_space<hbm>> -> memref<80xi32, #tpu.memory_space<hbm>>
        tpu.wait_dma2 semaphore(%run_scoped3A : memref<!tpu.dma_semaphore, #tpu.memory_space<semaphore_mem>>) src(%dma_wait3A_38 : memref<80xi32, #tpu.memory_space<hbm>>) dst(%arg8 : memref<80xi32, #tpu.memory_space<vmem>>)
        tpu.yield
      }) : () -> ()
      "tpu.region"() ({
        %run_scoped3A = tpu.sem_alloc : memref<!tpu.dma_semaphore, #tpu.memory_space<semaphore_mem>>
        %dma_start3A_27 = arith.constant 0 : i32
        %dma_start3A_28 = tpu.memref_slice %arg4[%add3A_16, %dma_start3A_27] : memref<4000x80xi32, #tpu.memory_space<hbm>> -> memref<1x80xi32, #tpu.memory_space<hbm>>
        %dma_start3A_29 = tpu.memref_squeeze %dma_start3A_28 : memref<1x80xi32, #tpu.memory_space<hbm>> -> memref<80xi32, #tpu.memory_space<hbm>>
        %dma_start3A_30 = arith.constant 0 : i32
        %dma_start3A_31 = tpu.memref_slice %arg4[%add3A_16, %dma_start3A_30] : memref<4000x80xi32, #tpu.memory_space<hbm>> -> memref<1x80xi32, #tpu.memory_space<hbm>>
        %dma_start3A_32 = tpu.memref_squeeze %dma_start3A_31 : memref<1x80xi32, #tpu.memory_space<hbm>> -> memref<80xi32, #tpu.memory_space<hbm>>
        tpu.enqueue_dma source(%dma_start3A_32 : memref<80xi32, #tpu.memory_space<hbm>>) target(%arg9 : memref<80xi32, #tpu.memory_space<vmem>>) target_semaphore(%run_scoped3A : memref<!tpu.dma_semaphore, #tpu.memory_space<semaphore_mem>>)
        %dma_wait3A_33 = arith.constant 0 : i32
        %dma_wait3A_34 = tpu.memref_slice %arg4[%add3A_16, %dma_wait3A_33] : memref<4000x80xi32, #tpu.memory_space<hbm>> -> memref<1x80xi32, #tpu.memory_space<hbm>>
        %dma_wait3A_35 = tpu.memref_squeeze %dma_wait3A_34 : memref<1x80xi32, #tpu.memory_space<hbm>> -> memref<80xi32, #tpu.memory_space<hbm>>
        %dma_wait3A_36 = arith.constant 0 : i32
        %dma_wait3A_37 = tpu.memref_slice %arg4[%add3A_16, %dma_wait3A_36] : memref<4000x80xi32, #tpu.memory_space<hbm>> -> memref<1x80xi32, #tpu.memory_space<hbm>>
        %dma_wait3A_38 = tpu.memref_squeeze %dma_wait3A_37 : memref<1x80xi32, #tpu.memory_space<hbm>> -> memref<80xi32, #tpu.memory_space<hbm>>
        tpu.wait_dma2 semaphore(%run_scoped3A : memref<!tpu.dma_semaphore, #tpu.memory_space<semaphore_mem>>) src(%dma_wait3A_38 : memref<80xi32, #tpu.memory_space<hbm>>) dst(%arg9 : memref<80xi32, #tpu.memory_space<vmem>>)
        tpu.yield
      }) : () -> ()
      "tpu.region"() ({
        %run_scoped3A = tpu.sem_alloc : memref<!tpu.dma_semaphore, #tpu.memory_space<semaphore_mem>>
        %dma_start3A_27 = arith.constant 0 : i32
        %dma_start3A_28 = arith.constant 0 : i32
        %dma_start3A_29 = tpu.memref_slice %arg5[%add3A_16, %dma_start3A_27, %dma_start3A_28] : memref<4000x80x16xf32, #tpu.memory_space<hbm>> -> memref<1x80x16xf32, #tpu.memory_space<hbm>>
        %dma_start3A_30 = tpu.memref_squeeze %dma_start3A_29 : memref<1x80x16xf32, #tpu.memory_space<hbm>> -> memref<80x16xf32, #tpu.memory_space<hbm>>
        %dma_start3A_31 = arith.constant 0 : i32
        %dma_start3A_32 = arith.constant 0 : i32
        %dma_start3A_33 = tpu.memref_slice %arg5[%add3A_16, %dma_start3A_31, %dma_start3A_32] : memref<4000x80x16xf32, #tpu.memory_space<hbm>> -> memref<1x80x16xf32, #tpu.memory_space<hbm>>
        %dma_start3A_34 = tpu.memref_squeeze %dma_start3A_33 : memref<1x80x16xf32, #tpu.memory_space<hbm>> -> memref<80x16xf32, #tpu.memory_space<hbm>>
        tpu.enqueue_dma source(%dma_start3A_34 : memref<80x16xf32, #tpu.memory_space<hbm>>) target(%arg10 : memref<80x16xf32, #tpu.memory_space<vmem>>) target_semaphore(%run_scoped3A : memref<!tpu.dma_semaphore, #tpu.memory_space<semaphore_mem>>)
        %dma_wait3A_35 = arith.constant 0 : i32
        %dma_wait3A_36 = arith.constant 0 : i32
        %dma_wait3A_37 = tpu.memref_slice %arg5[%add3A_16, %dma_wait3A_35, %dma_wait3A_36] : memref<4000x80x16xf32, #tpu.memory_space<hbm>> -> memref<1x80x16xf32, #tpu.memory_space<hbm>>
        %dma_wait3A_38 = tpu.memref_squeeze %dma_wait3A_37 : memref<1x80x16xf32, #tpu.memory_space<hbm>> -> memref<80x16xf32, #tpu.memory_space<hbm>>
        %dma_wait3A_39 = arith.constant 0 : i32
        %dma_wait3A_40 = arith.constant 0 : i32
        %dma_wait3A_41 = tpu.memref_slice %arg5[%add3A_16, %dma_wait3A_39, %dma_wait3A_40] : memref<4000x80x16xf32, #tpu.memory_space<hbm>> -> memref<1x80x16xf32, #tpu.memory_space<hbm>>
        %dma_wait3A_42 = tpu.memref_squeeze %dma_wait3A_41 : memref<1x80x16xf32, #tpu.memory_space<hbm>> -> memref<80x16xf32, #tpu.memory_space<hbm>>
        tpu.wait_dma2 semaphore(%run_scoped3A : memref<!tpu.dma_semaphore, #tpu.memory_space<semaphore_mem>>) src(%dma_wait3A_42 : memref<80x16xf32, #tpu.memory_space<hbm>>) dst(%arg10 : memref<80x16xf32, #tpu.memory_space<vmem>>)
        tpu.yield
      }) : () -> ()
      %dma_start3A = arith.constant 0 : i32
      %dma_start3A_17 = arith.constant 0 : i32
      %dma_start3A_18 = tpu.memref_slice %arg2[%dma_start3A, %dma_start3A_17] : memref<10000x128xf32, #tpu.memory_space<hbm>> -> memref<10000x128xf32, #tpu.memory_space<hbm>>
      tpu.enqueue_indirect_dma source(%dma_start3A_18 : memref<10000x128xf32, #tpu.memory_space<hbm>>) target(%arg11 : memref<80x128xf32, #tpu.memory_space<vmem>>) offsets(%arg8 : memref<80xi32, #tpu.memory_space<vmem>>) semaphore(%arg13 : memref<!tpu.dma_semaphore, #tpu.memory_space<semaphore_mem>>)
      %dma_wait3A = arith.constant 0 : i32
      %dma_wait3A_19 = arith.constant 0 : i32
      %dma_wait3A_20 = tpu.memref_slice %arg2[%dma_wait3A, %dma_wait3A_19] : memref<10000x128xf32, #tpu.memory_space<hbm>> -> memref<10000x128xf32, #tpu.memory_space<hbm>>
      tpu.wait_indirect_dma semaphore(%arg13 : memref<!tpu.dma_semaphore, #tpu.memory_space<semaphore_mem>>) src(%dma_wait3A_20 : memref<10000x128xf32, #tpu.memory_space<hbm>>) dst(%arg11 : memref<80x128xf32, #tpu.memory_space<vmem>>)
      %scan3A_21 = arith.constant 0 : i32
      %scan3A_22 = arith.constant 0 : i32
      %scan3A_23 = arith.constant 80 : i32
      %scan3A_24 = arith.addi %scan3A_22, %scan3A_23 : i32
      %scan3A_25 = arith.constant 1 : i32
      scf.for %scan3A_27 = %scan3A_22 to %scan3A_24 step %scan3A_25  : i32 {
        %get3A = arith.index_cast %scan3A_27 : i32 to index
        %get3A_28 = arith.constant 0 : index
        %get3A_29 = tpu.vector_load %arg10[%get3A, %get3A_28] {strides = array<i32>} : memref<80x16xf32, #tpu.memory_space<vmem>>, vector<1x16xf32>,
        %get3A_30 = vector.shape_cast %get3A_29 : vector<1x16xf32> to vector<16xf32>
        %get3A_31 = arith.index_cast %scan3A_27 : i32 to index
        %get3A_32 = arith.constant 0 : index
        %get3A_33 = tpu.vector_load %arg11[%get3A_31, %get3A_32] {strides = array<i32>} : memref<80x128xf32, #tpu.memory_space<vmem>>, vector<1x16xf32>,
        %get3A_34 = vector.shape_cast %get3A_33 : vector<1x16xf32> to vector<16xf32>
        %mul3A_35 = arith.mulf %get3A_34, %get3A_30 : vector<16xf32>
        %swap3A = arith.index_cast %scan3A_27 : i32 to index
        %swap3A_36 = arith.constant 0 : index
        %swap3A_37 = tpu.vector_load %arg11[%swap3A, %swap3A_36] {strides = array<i32>} : memref<80x128xf32, #tpu.memory_space<vmem>>, vector<1x16xf32>,
        %swap3A_38 = vector.shape_cast %swap3A_37 : vector<1x16xf32> to vector<16xf32>
        %swap3A_39 = vector.shape_cast %mul3A_35 : vector<16xf32> to vector<1x16xf32>
        tpu.vector_store %arg11[%swap3A, %swap3A_36], %swap3A_39 {strides = array<i32>} : memref<80x128xf32, #tpu.memory_space<vmem>>, vector<1x16xf32>,
        %get3A_40 = arith.index_cast %scan3A_27 : i32 to index
        %get3A_41 = arith.constant 16 : index
        %get3A_42 = tpu.vector_load %arg11[%get3A_40, %get3A_41] {strides = array<i32>} : memref<80x128xf32, #tpu.memory_space<vmem>>, vector<1x16xf32>,
        %get3A_43 = vector.shape_cast %get3A_42 : vector<1x16xf32> to vector<16xf32>
        %mul3A_44 = arith.mulf %get3A_43, %get3A_30 : vector<16xf32>
        %swap3A_45 = arith.index_cast %scan3A_27 : i32 to index
        %swap3A_46 = arith.constant 16 : index
        %swap3A_47 = tpu.vector_load %arg11[%swap3A_45, %swap3A_46] {strides = array<i32>} : memref<80x128xf32, #tpu.memory_space<vmem>>, vector<1x16xf32>,
        %swap3A_48 = vector.shape_cast %swap3A_47 : vector<1x16xf32> to vector<16xf32>
        %swap3A_49 = vector.shape_cast %mul3A_44 : vector<16xf32> to vector<1x16xf32>
        tpu.vector_store %arg11[%swap3A_45, %swap3A_46], %swap3A_49 {strides = array<i32>} : memref<80x128xf32, #tpu.memory_space<vmem>>, vector<1x16xf32>,
        %get3A_50 = arith.index_cast %scan3A_27 : i32 to index
        %get3A_51 = arith.constant 32 : index
        %get3A_52 = tpu.vector_load %arg11[%get3A_50, %get3A_51] {strides = array<i32>} : memref<80x128xf32, #tpu.memory_space<vmem>>, vector<1x16xf32>,
        %get3A_53 = vector.shape_cast %get3A_52 : vector<1x16xf32> to vector<16xf32>
        %mul3A_54 = arith.mulf %get3A_53, %get3A_30 : vector<16xf32>
        %swap3A_55 = arith.index_cast %scan3A_27 : i32 to index
        %swap3A_56 = arith.constant 32 : index
        %swap3A_57 = tpu.vector_load %arg11[%swap3A_55, %swap3A_56] {strides = array<i32>} : memref<80x128xf32, #tpu.memory_space<vmem>>, vector<1x16xf32>,
        %swap3A_58 = vector.shape_cast %swap3A_57 : vector<1x16xf32> to vector<16xf32>
        %swap3A_59 = vector.shape_cast %mul3A_54 : vector<16xf32> to vector<1x16xf32>
        tpu.vector_store %arg11[%swap3A_55, %swap3A_56], %swap3A_59 {strides = array<i32>} : memref<80x128xf32, #tpu.memory_space<vmem>>, vector<1x16xf32>,
        %get3A_60 = arith.index_cast %scan3A_27 : i32 to index
        %get3A_61 = arith.constant 48 : index
        %get3A_62 = tpu.vector_load %arg11[%get3A_60, %get3A_61] {strides = array<i32>} : memref<80x128xf32, #tpu.memory_space<vmem>>, vector<1x16xf32>,
        %get3A_63 = vector.shape_cast %get3A_62 : vector<1x16xf32> to vector<16xf32>
        %mul3A_64 = arith.mulf %get3A_63, %get3A_30 : vector<16xf32>
        %swap3A_65 = arith.index_cast %scan3A_27 : i32 to index
        %swap3A_66 = arith.constant 48 : index
        %swap3A_67 = tpu.vector_load %arg11[%swap3A_65, %swap3A_66] {strides = array<i32>} : memref<80x128xf32, #tpu.memory_space<vmem>>, vector<1x16xf32>,
        %swap3A_68 = vector.shape_cast %swap3A_67 : vector<1x16xf32> to vector<16xf32>
        %swap3A_69 = vector.shape_cast %mul3A_64 : vector<16xf32> to vector<1x16xf32>
        tpu.vector_store %arg11[%swap3A_65, %swap3A_66], %swap3A_69 {strides = array<i32>} : memref<80x128xf32, #tpu.memory_space<vmem>>, vector<1x16xf32>,
        %get3A_70 = arith.index_cast %scan3A_27 : i32 to index
        %get3A_71 = arith.constant 64 : index
        %get3A_72 = tpu.vector_load %arg11[%get3A_70, %get3A_71] {strides = array<i32>} : memref<80x128xf32, #tpu.memory_space<vmem>>, vector<1x16xf32>,
        %get3A_73 = vector.shape_cast %get3A_72 : vector<1x16xf32> to vector<16xf32>
        %mul3A_74 = arith.mulf %get3A_73, %get3A_30 : vector<16xf32>
        %swap3A_75 = arith.index_cast %scan3A_27 : i32 to index
        %swap3A_76 = arith.constant 64 : index
        %swap3A_77 = tpu.vector_load %arg11[%swap3A_75, %swap3A_76] {strides = array<i32>} : memref<80x128xf32, #tpu.memory_space<vmem>>, vector<1x16xf32>,
        %swap3A_78 = vector.shape_cast %swap3A_77 : vector<1x16xf32> to vector<16xf32>
        %swap3A_79 = vector.shape_cast %mul3A_74 : vector<16xf32> to vector<1x16xf32>
        tpu.vector_store %arg11[%swap3A_75, %swap3A_76], %swap3A_79 {strides = array<i32>} : memref<80x128xf32, #tpu.memory_space<vmem>>, vector<1x16xf32>,
        %get3A_80 = arith.index_cast %scan3A_27 : i32 to index
        %get3A_81 = arith.constant 80 : index
        %get3A_82 = tpu.vector_load %arg11[%get3A_80, %get3A_81] {strides = array<i32>} : memref<80x128xf32, #tpu.memory_space<vmem>>, vector<1x16xf32>,
        %get3A_83 = vector.shape_cast %get3A_82 : vector<1x16xf32> to vector<16xf32>
        %mul3A_84 = arith.mulf %get3A_83, %get3A_30 : vector<16xf32>
        %swap3A_85 = arith.index_cast %scan3A_27 : i32 to index
        %swap3A_86 = arith.constant 80 : index
        %swap3A_87 = tpu.vector_load %arg11[%swap3A_85, %swap3A_86] {strides = array<i32>} : memref<80x128xf32, #tpu.memory_space<vmem>>, vector<1x16xf32>,
        %swap3A_88 = vector.shape_cast %swap3A_87 : vector<1x16xf32> to vector<16xf32>
        %swap3A_89 = vector.shape_cast %mul3A_84 : vector<16xf32> to vector<1x16xf32>
        tpu.vector_store %arg11[%swap3A_85, %swap3A_86], %swap3A_89 {strides = array<i32>} : memref<80x128xf32, #tpu.memory_space<vmem>>, vector<1x16xf32>,
        %get3A_90 = arith.index_cast %scan3A_27 : i32 to index
        %get3A_91 = arith.constant 96 : index
        %get3A_92 = tpu.vector_load %arg11[%get3A_90, %get3A_91] {strides = array<i32>} : memref<80x128xf32, #tpu.memory_space<vmem>>, vector<1x16xf32>,
        %get3A_93 = vector.shape_cast %get3A_92 : vector<1x16xf32> to vector<16xf32>
        %mul3A_94 = arith.mulf %get3A_93, %get3A_30 : vector<16xf32>
        %swap3A_95 = arith.index_cast %scan3A_27 : i32 to index
        %swap3A_96 = arith.constant 96 : index
        %swap3A_97 = tpu.vector_load %arg11[%swap3A_95, %swap3A_96] {strides = array<i32>} : memref<80x128xf32, #tpu.memory_space<vmem>>, vector<1x16xf32>,
        %swap3A_98 = vector.shape_cast %swap3A_97 : vector<1x16xf32> to vector<16xf32>
        %swap3A_99 = vector.shape_cast %mul3A_94 : vector<16xf32> to vector<1x16xf32>
        tpu.vector_store %arg11[%swap3A_95, %swap3A_96], %swap3A_99 {strides = array<i32>} : memref<80x128xf32, #tpu.memory_space<vmem>>, vector<1x16xf32>,
        %get3A_100 = arith.index_cast %scan3A_27 : i32 to index
        %get3A_101 = arith.constant 112 : index
        %get3A_102 = tpu.vector_load %arg11[%get3A_100, %get3A_101] {strides = array<i32>} : memref<80x128xf32, #tpu.memory_space<vmem>>, vector<1x16xf32>,
        %get3A_103 = vector.shape_cast %get3A_102 : vector<1x16xf32> to vector<16xf32>
        %mul3A_104 = arith.mulf %get3A_103, %get3A_30 : vector<16xf32>
        %swap3A_105 = arith.index_cast %scan3A_27 : i32 to index
        %swap3A_106 = arith.constant 112 : index
        %swap3A_107 = tpu.vector_load %arg11[%swap3A_105, %swap3A_106] {strides = array<i32>} : memref<80x128xf32, #tpu.memory_space<vmem>>, vector<1x16xf32>,
        %swap3A_108 = vector.shape_cast %swap3A_107 : vector<1x16xf32> to vector<16xf32>
        %swap3A_109 = vector.shape_cast %mul3A_104 : vector<16xf32> to vector<1x16xf32>
        tpu.vector_store %arg11[%swap3A_105, %swap3A_106], %swap3A_109 {strides = array<i32>} : memref<80x128xf32, #tpu.memory_space<vmem>>, vector<1x16xf32>,
      }
      %scan3A_26 = arith.constant 80 : i32
      "tpu.region"() ({
        %run_scoped3A = tpu.sem_alloc : memref<!tpu.dma_semaphore, #tpu.memory_space<semaphore_mem>>
        %dma_start3A_27 = arith.constant 0 : i32
        %dma_start3A_28 = arith.constant 0 : i32
        %dma_start3A_29 = tpu.memref_slice %arg12[%dma_start3A_27, %dma_start3A_28] : memref<10240x128xf32, #tpu.memory_space<vmem_shared>> -> memref<10240x128xf32, #tpu.memory_space<vmem_shared>>
        tpu.enqueue_indirect_dma source(%arg11 : memref<80x128xf32, #tpu.memory_space<vmem>>) target(%dma_start3A_29 : memref<10240x128xf32, #tpu.memory_space<vmem_shared>>) offsets(%arg9 : memref<80xi32, #tpu.memory_space<vmem>>) semaphore(%run_scoped3A : memref<!tpu.dma_semaphore, #tpu.memory_space<semaphore_mem>>) {add = true}
        %dma_wait3A_30 = arith.constant 0 : i32
        %dma_wait3A_31 = arith.constant 0 : i32
        %dma_wait3A_32 = tpu.memref_slice %arg12[%dma_wait3A_30, %dma_wait3A_31] : memref<10240x128xf32, #tpu.memory_space<vmem_shared>> -> memref<10240x128xf32, #tpu.memory_space<vmem_shared>>
        tpu.wait_indirect_dma semaphore(%run_scoped3A : memref<!tpu.dma_semaphore, #tpu.memory_space<semaphore_mem>>) src(%arg11 : memref<80x128xf32, #tpu.memory_space<vmem>>) dst(%dma_wait3A_32 : memref<10240x128xf32, #tpu.memory_space<vmem_shared>>)
        tpu.yield
      }) : () -> ()
    }
    %scan3A_7 = arith.constant 125 : i32
    %barrier3A_8 = arith.constant 0 : index
    tpu.barrier barrier_id(%barrier3A_8)
    %mul3A_9 = arith.constant 640 : i32
    %mul3A_10 = arith.muli %arg1, %mul3A_9 : i32
    %mul3A_11 = arith.constant 640 : i32
    %mul3A_12 = arith.muli %arg1, %mul3A_11 : i32
    "tpu.region"() ({
      %run_scoped3A = tpu.sem_alloc : memref<!tpu.dma_semaphore, #tpu.memory_space<semaphore_mem>>
      %dma_start3A = arith.constant 0 : i32
      %dma_start3A_13 = tpu.memref_slice %arg7[%arg0, %mul3A_12, %dma_start3A] : memref<2x10240x128xf32, #tpu.memory_space<hbm>> -> memref<1x640x128xf32, #tpu.memory_space<hbm>>
      %dma_start3A_14 = tpu.memref_squeeze %dma_start3A_13 : memref<1x640x128xf32, #tpu.memory_space<hbm>> -> memref<640x128xf32, #tpu.memory_space<hbm>>
      %dma_start3A_15 = arith.constant 0 : i32
      %dma_start3A_16 = tpu.memref_slice %arg12[%mul3A_10, %dma_start3A_15] : memref<10240x128xf32, #tpu.memory_space<vmem_shared>> -> memref<640x128xf32, #tpu.memory_space<vmem_shared>>
      tpu.enqueue_dma source(%dma_start3A_16 : memref<640x128xf32, #tpu.memory_space<vmem_shared>>) target(%dma_start3A_14 : memref<640x128xf32, #tpu.memory_space<hbm>>) target_semaphore(%run_scoped3A : memref<!tpu.dma_semaphore, #tpu.memory_space<semaphore_mem>>)
      %dma_wait3A = arith.constant 0 : i32
      %dma_wait3A_17 = tpu.memref_slice %arg7[%arg0, %mul3A_12, %dma_wait3A] : memref<2x10240x128xf32, #tpu.memory_space<hbm>> -> memref<1x640x128xf32, #tpu.memory_space<hbm>>
      %dma_wait3A_18 = tpu.memref_squeeze %dma_wait3A_17 : memref<1x640x128xf32, #tpu.memory_space<hbm>> -> memref<640x128xf32, #tpu.memory_space<hbm>>
      %dma_wait3A_19 = arith.constant 0 : i32
      %dma_wait3A_20 = tpu.memref_slice %arg12[%mul3A_10, %dma_wait3A_19] : memref<10240x128xf32, #tpu.memory_space<vmem_shared>> -> memref<640x128xf32, #tpu.memory_space<vmem_shared>>
      tpu.wait_dma2 semaphore(%run_scoped3A : memref<!tpu.dma_semaphore, #tpu.memory_space<semaphore_mem>>) src(%dma_wait3A_20 : memref<640x128xf32, #tpu.memory_space<vmem_shared>>) dst(%dma_wait3A_18 : memref<640x128xf32, #tpu.memory_space<hbm>>)
      tpu.yield
    }) : () -> ()
    return
  }
}

module attributes {stable_mosaic.version = 14 : i64} {
  func.func @_stage1_body(%arg0: i32, %arg1: memref<2x1000x1xf32, #tpu.memory_space<vmem>>, %arg2: memref<1000x128xf32, #tpu.memory_space<vmem>>, %arg3: memref<128x128xf32, #tpu.memory_space<vmem>>, %arg4: memref<1000x128xf32, #tpu.memory_space<vmem>>, %arg5: memref<1000x1xf32, #tpu.memory_space<vmem>>) attributes {dimension_semantics = [#tpu.dimension_semantics<arbitrary>], iteration_bounds = array<i64: 10>, scalar_prefetch = 0 : i64, scratch_operands = 0 : i64, tpu.core_type = #tpu.core_type<tc>, window_params = [{transform_indices = @transform_0, window_bounds = array<i64: 2, 1000, 1>}, {transform_indices = @transform_1, window_bounds = array<i64: 1000, 128>}, {pipeline_mode = #tpu.pipeline_mode<synchronous>, transform_indices = @transform_2, window_bounds = array<i64: 128, 128>}, {transform_indices = @transform_3, window_bounds = array<i64: 1000, 128>}, {transform_indices = @transform_4, window_bounds = array<i64: 1000, 1>}]} {
    %get3A = arith.constant 0 : index
    %get3A_0 = arith.constant 0 : index
    %get3A_1 = arith.constant 0 : index
    %get3A_2 = vector.load %arg1[%get3A, %get3A_0, %get3A_1] : memref<2x1000x1xf32, #tpu.memory_space<vmem>>, vector<2x1000x1xf32>
    %slice3A = vector.extract_strided_slice %get3A_2 {offsets = [0, 0, 0], sizes = [1, 1000, 1], strides = [1, 1, 1]} : vector<2x1000x1xf32> to vector<1x1000x1xf32>
    %squeeze3A = vector.shape_cast %slice3A : vector<1x1000x1xf32> to vector<1000x1xf32>
    %slice3A_3 = vector.extract_strided_slice %get3A_2 {offsets = [1, 0, 0], sizes = [1, 1000, 1], strides = [1, 1, 1]} : vector<2x1000x1xf32> to vector<1x1000x1xf32>
    %squeeze3A_4 = vector.shape_cast %slice3A_3 : vector<1x1000x1xf32> to vector<1000x1xf32>
    %add3A = arith.addf %squeeze3A, %squeeze3A_4 : vector<1000x1xf32>
    %add3A_5 = arith.constant 1.000000e+00 : f32
    %add3A_6 = vector.broadcast %add3A_5 : f32 to vector<1000x1xf32>
    %add3A_7 = arith.addf %add3A, %add3A_6 : vector<1000x1xf32>
    %rsqrt3A = math.rsqrt %add3A_7 : vector<1000x1xf32>
    %get3A_8 = arith.constant 0 : index
    %get3A_9 = arith.constant 0 : index
    %get3A_10 = vector.load %arg2[%get3A_8, %get3A_9] : memref<1000x128xf32, #tpu.memory_space<vmem>>, vector<1000x128xf32>
    %get3A_11 = arith.constant 0 : index
    %get3A_12 = arith.constant 0 : index
    %get3A_13 = vector.load %arg3[%get3A_11, %get3A_12] : memref<128x128xf32, #tpu.memory_space<vmem>>, vector<128x128xf32>
    %dot_general3A = arith.constant dense<0.000000e+00> : vector<1000x128xf32>
    %dot_general3A_14 = tpu.matmul %get3A_10, %get3A_13, %dot_general3A {dimension_numbers = #tpu.dot_dimension_numbers<[1], [0], [0], [1], [0, 0, 1, 1], [], []>, transpose_lhs_hint = false} : vector<1000x128xf32>, vector<128x128xf32>, vector<1000x128xf32> -> vector<1000x128xf32>
    %mul3A = vector.broadcast %rsqrt3A : vector<1000x1xf32> to vector<1000x128xf32>
    %mul3A_15 = arith.mulf %dot_general3A_14, %mul3A : vector<1000x128xf32>
    %swap3A = arith.constant 0 : index
    %swap3A_16 = arith.constant 0 : index
    %swap3A_17 = vector.load %arg4[%swap3A, %swap3A_16] : memref<1000x128xf32, #tpu.memory_space<vmem>>, vector<1000x128xf32>
    tpu.vector_store %arg4[%swap3A, %swap3A_16], %mul3A_15 {strides = array<i32>} : memref<1000x128xf32, #tpu.memory_space<vmem>>, vector<1000x128xf32>,
    %swap3A_18 = arith.constant 0 : index
    %swap3A_19 = arith.constant 0 : index
    %swap3A_20 = vector.load %arg5[%swap3A_18, %swap3A_19] : memref<1000x1xf32, #tpu.memory_space<vmem>>, vector<1000x1xf32>
    tpu.vector_store %arg5[%swap3A_18, %swap3A_19], %rsqrt3A {strides = array<i32>} : memref<1000x1xf32, #tpu.memory_space<vmem>>, vector<1000x1xf32>,
    return
  }
  func.func @transform_0(%arg0: i32) -> (i32, i32, i32) {
    %c0_i32 = arith.constant 0 : i32
    %c0_i32_0 = arith.constant 0 : i32
    %c0_i32_1 = arith.constant 0 : i32
    return %c0_i32, %arg0, %c0_i32_0 : i32, i32, i32
  }
  func.func @transform_1(%arg0: i32) -> (i32, i32) {
    %c0_i32 = arith.constant 0 : i32
    %c0_i32_0 = arith.constant 0 : i32
    return %arg0, %c0_i32 : i32, i32
  }
  func.func @transform_2(%arg0: i32) -> (i32, i32) {
    %c0_i32 = arith.constant 0 : i32
    %c0_i32_0 = arith.constant 0 : i32
    %c0_i32_1 = arith.constant 0 : i32
    return %c0_i32, %c0_i32_0 : i32, i32
  }
  func.func @transform_3(%arg0: i32) -> (i32, i32) {
    %c0_i32 = arith.constant 0 : i32
    %c0_i32_0 = arith.constant 0 : i32
    return %arg0, %c0_i32 : i32, i32
  }
  func.func @transform_4(%arg0: i32) -> (i32, i32) {
    %c0_i32 = arith.constant 0 : i32
    %c0_i32_0 = arith.constant 0 : i32
    return %arg0, %c0_i32 : i32, i32
  }
}

module attributes {stable_mosaic.version = 14 : i64} {
  func.func @_stage2_body(%arg0: i32, %arg1: memref<2x1000x128xf32, #tpu.memory_space<vmem>>, %arg2: memref<1000x128xf32, #tpu.memory_space<vmem>>, %arg3: memref<1000x1xf32, #tpu.memory_space<vmem>>, %arg4: memref<128xf32, #tpu.memory_space<vmem>>, %arg5: memref<128x128xf32, #tpu.memory_space<vmem>>, %arg6: memref<1000x128xf32, #tpu.memory_space<vmem>>) attributes {dimension_semantics = [#tpu.dimension_semantics<arbitrary>], iteration_bounds = array<i64: 10>, scalar_prefetch = 0 : i64, scratch_operands = 0 : i64, tpu.core_type = #tpu.core_type<tc>, window_params = [{transform_indices = @transform_0, window_bounds = array<i64: 2, 1000, 128>}, {transform_indices = @transform_1, window_bounds = array<i64: 1000, 128>}, {transform_indices = @transform_2, window_bounds = array<i64: 1000, 1>}, {pipeline_mode = #tpu.pipeline_mode<synchronous>, transform_indices = @transform_3, window_bounds = array<i64: 128>}, {pipeline_mode = #tpu.pipeline_mode<synchronous>, transform_indices = @transform_4, window_bounds = array<i64: 128, 128>}, {transform_indices = @transform_5, window_bounds = array<i64: 1000, 128>}]} {
    %get3A = arith.constant 0 : index
    %get3A_0 = arith.constant 0 : index
    %get3A_1 = arith.constant 0 : index
    %get3A_2 = vector.load %arg1[%get3A, %get3A_0, %get3A_1] : memref<2x1000x128xf32, #tpu.memory_space<vmem>>, vector<2x1000x128xf32>
    %slice3A = vector.extract_strided_slice %get3A_2 {offsets = [0, 0, 0], sizes = [1, 1000, 128], strides = [1, 1, 1]} : vector<2x1000x128xf32> to vector<1x1000x128xf32>
    %squeeze3A = vector.shape_cast %slice3A : vector<1x1000x128xf32> to vector<1000x128xf32>
    %slice3A_3 = vector.extract_strided_slice %get3A_2 {offsets = [1, 0, 0], sizes = [1, 1000, 128], strides = [1, 1, 1]} : vector<2x1000x128xf32> to vector<1x1000x128xf32>
    %squeeze3A_4 = vector.shape_cast %slice3A_3 : vector<1x1000x128xf32> to vector<1000x128xf32>
    %add3A = arith.addf %squeeze3A, %squeeze3A_4 : vector<1000x128xf32>
    %get3A_5 = arith.constant 0 : index
    %get3A_6 = arith.constant 0 : index
    %get3A_7 = vector.load %arg2[%get3A_5, %get3A_6] : memref<1000x128xf32, #tpu.memory_space<vmem>>, vector<1000x128xf32>
    %add3A_8 = arith.addf %add3A, %get3A_7 : vector<1000x128xf32>
    %get3A_9 = arith.constant 0 : index
    %get3A_10 = arith.constant 0 : index
    %get3A_11 = vector.load %arg3[%get3A_9, %get3A_10] : memref<1000x1xf32, #tpu.memory_space<vmem>>, vector<1000x1xf32>
    %mul3A = vector.broadcast %get3A_11 : vector<1000x1xf32> to vector<1000x128xf32>
    %mul3A_12 = arith.mulf %add3A_8, %mul3A : vector<1000x128xf32>
    %get3A_13 = arith.constant 0 : index
    %get3A_14 = vector.load %arg4[%get3A_13] : memref<128xf32, #tpu.memory_space<vmem>>, vector<128xf32>
    %broadcast_in_dim3A = vector.shape_cast %get3A_14 : vector<128xf32> to vector<1x128xf32>
    %add3A_15 = vector.broadcast %broadcast_in_dim3A : vector<1x128xf32> to vector<1000x128xf32>
    %add3A_16 = arith.addf %mul3A_12, %add3A_15 : vector<1000x128xf32>
    %max3A = arith.constant 0.000000e+00 : f32
    %max3A_17 = vector.broadcast %max3A : f32 to vector<1000x128xf32>
    %max3A_18 = arith.maximumf %add3A_16, %max3A_17 : vector<1000x128xf32>
    %get3A_19 = arith.constant 0 : index
    %get3A_20 = arith.constant 0 : index
    %get3A_21 = vector.load %arg5[%get3A_19, %get3A_20] : memref<128x128xf32, #tpu.memory_space<vmem>>, vector<128x128xf32>
    %dot_general3A = arith.constant dense<0.000000e+00> : vector<1000x128xf32>
    %dot_general3A_22 = tpu.matmul %max3A_18, %get3A_21, %dot_general3A {dimension_numbers = #tpu.dot_dimension_numbers<[1], [0], [0], [1], [0, 0, 1, 1], [], []>, transpose_lhs_hint = false} : vector<1000x128xf32>, vector<128x128xf32>, vector<1000x128xf32> -> vector<1000x128xf32>
    %get3A_23 = arith.constant 0 : index
    %get3A_24 = arith.constant 0 : index
    %get3A_25 = vector.load %arg3[%get3A_23, %get3A_24] : memref<1000x1xf32, #tpu.memory_space<vmem>>, vector<1000x1xf32>
    %mul3A_26 = vector.broadcast %get3A_25 : vector<1000x1xf32> to vector<1000x128xf32>
    %mul3A_27 = arith.mulf %dot_general3A_22, %mul3A_26 : vector<1000x128xf32>
    %swap3A = arith.constant 0 : index
    %swap3A_28 = arith.constant 0 : index
    %swap3A_29 = vector.load %arg6[%swap3A, %swap3A_28] : memref<1000x128xf32, #tpu.memory_space<vmem>>, vector<1000x128xf32>
    tpu.vector_store %arg6[%swap3A, %swap3A_28], %mul3A_27 {strides = array<i32>} : memref<1000x128xf32, #tpu.memory_space<vmem>>, vector<1000x128xf32>,
    return
  }
  func.func @transform_0(%arg0: i32) -> (i32, i32, i32) {
    %c0_i32 = arith.constant 0 : i32
    %c0_i32_0 = arith.constant 0 : i32
    %c0_i32_1 = arith.constant 0 : i32
    return %c0_i32, %arg0, %c0_i32_0 : i32, i32, i32
  }
  func.func @transform_1(%arg0: i32) -> (i32, i32) {
    %c0_i32 = arith.constant 0 : i32
    %c0_i32_0 = arith.constant 0 : i32
    return %arg0, %c0_i32 : i32, i32
  }
  func.func @transform_2(%arg0: i32) -> (i32, i32) {
    %c0_i32 = arith.constant 0 : i32
    %c0_i32_0 = arith.constant 0 : i32
    return %arg0, %c0_i32 : i32, i32
  }
  func.func @transform_3(%arg0: i32) -> i32 {
    %c0_i32 = arith.constant 0 : i32
    %c0_i32_0 = arith.constant 0 : i32
    return %c0_i32 : i32
  }
  func.func @transform_4(%arg0: i32) -> (i32, i32) {
    %c0_i32 = arith.constant 0 : i32
    %c0_i32_0 = arith.constant 0 : i32
    %c0_i32_1 = arith.constant 0 : i32
    return %c0_i32, %c0_i32_0 : i32, i32
  }
  func.func @transform_5(%arg0: i32) -> (i32, i32) {
    %c0_i32 = arith.constant 0 : i32
    %c0_i32_0 = arith.constant 0 : i32
    return %arg0, %c0_i32 : i32, i32
  }
}

module attributes {stable_mosaic.version = 14 : i64} {
  func.func @_stage3_body(%arg0: i32, %arg1: memref<2x1000x128xf32, #tpu.memory_space<vmem>>, %arg2: memref<1000x128xf32, #tpu.memory_space<vmem>>, %arg3: memref<1000x1xf32, #tpu.memory_space<vmem>>, %arg4: memref<128xf32, #tpu.memory_space<vmem>>, %arg5: memref<128x128xf32, #tpu.memory_space<vmem>>, %arg6: memref<128xf32, #tpu.memory_space<vmem>>, %arg7: memref<128x10xf32, #tpu.memory_space<vmem>>, %arg8: memref<10xf32, #tpu.memory_space<vmem>>, %arg9: memref<1000x10xf32, #tpu.memory_space<vmem>>) attributes {dimension_semantics = [#tpu.dimension_semantics<arbitrary>], iteration_bounds = array<i64: 10>, scalar_prefetch = 0 : i64, scratch_operands = 0 : i64, tpu.core_type = #tpu.core_type<tc>, window_params = [{transform_indices = @transform_0, window_bounds = array<i64: 2, 1000, 128>}, {transform_indices = @transform_1, window_bounds = array<i64: 1000, 128>}, {transform_indices = @transform_2, window_bounds = array<i64: 1000, 1>}, {pipeline_mode = #tpu.pipeline_mode<synchronous>, transform_indices = @transform_3, window_bounds = array<i64: 128>}, {pipeline_mode = #tpu.pipeline_mode<synchronous>, transform_indices = @transform_4, window_bounds = array<i64: 128, 128>}, {pipeline_mode = #tpu.pipeline_mode<synchronous>, transform_indices = @transform_5, window_bounds = array<i64: 128>}, {pipeline_mode = #tpu.pipeline_mode<synchronous>, transform_indices = @transform_6, window_bounds = array<i64: 128, 10>}, {pipeline_mode = #tpu.pipeline_mode<synchronous>, transform_indices = @transform_7, window_bounds = array<i64: 10>}, {transform_indices = @transform_8, window_bounds = array<i64: 1000, 10>}]} {
    %get3A = arith.constant 0 : index
    %get3A_0 = arith.constant 0 : index
    %get3A_1 = arith.constant 0 : index
    %get3A_2 = vector.load %arg1[%get3A, %get3A_0, %get3A_1] : memref<2x1000x128xf32, #tpu.memory_space<vmem>>, vector<2x1000x128xf32>
    %slice3A = vector.extract_strided_slice %get3A_2 {offsets = [0, 0, 0], sizes = [1, 1000, 128], strides = [1, 1, 1]} : vector<2x1000x128xf32> to vector<1x1000x128xf32>
    %squeeze3A = vector.shape_cast %slice3A : vector<1x1000x128xf32> to vector<1000x128xf32>
    %slice3A_3 = vector.extract_strided_slice %get3A_2 {offsets = [1, 0, 0], sizes = [1, 1000, 128], strides = [1, 1, 1]} : vector<2x1000x128xf32> to vector<1x1000x128xf32>
    %squeeze3A_4 = vector.shape_cast %slice3A_3 : vector<1x1000x128xf32> to vector<1000x128xf32>
    %add3A = arith.addf %squeeze3A, %squeeze3A_4 : vector<1000x128xf32>
    %get3A_5 = arith.constant 0 : index
    %get3A_6 = arith.constant 0 : index
    %get3A_7 = vector.load %arg2[%get3A_5, %get3A_6] : memref<1000x128xf32, #tpu.memory_space<vmem>>, vector<1000x128xf32>
    %add3A_8 = arith.addf %add3A, %get3A_7 : vector<1000x128xf32>
    %get3A_9 = arith.constant 0 : index
    %get3A_10 = arith.constant 0 : index
    %get3A_11 = vector.load %arg3[%get3A_9, %get3A_10] : memref<1000x1xf32, #tpu.memory_space<vmem>>, vector<1000x1xf32>
    %mul3A = vector.broadcast %get3A_11 : vector<1000x1xf32> to vector<1000x128xf32>
    %mul3A_12 = arith.mulf %add3A_8, %mul3A : vector<1000x128xf32>
    %get3A_13 = arith.constant 0 : index
    %get3A_14 = vector.load %arg4[%get3A_13] : memref<128xf32, #tpu.memory_space<vmem>>, vector<128xf32>
    %broadcast_in_dim3A = vector.shape_cast %get3A_14 : vector<128xf32> to vector<1x128xf32>
    %add3A_15 = vector.broadcast %broadcast_in_dim3A : vector<1x128xf32> to vector<1000x128xf32>
    %add3A_16 = arith.addf %mul3A_12, %add3A_15 : vector<1000x128xf32>
    %gt3A = arith.constant 0.000000e+00 : f32
    %gt3A_17 = vector.broadcast %gt3A : f32 to vector<1000x128xf32>
    %gt3A_18 = arith.cmpf ogt, %add3A_16, %gt3A_17 : vector<1000x128xf32>
    %exp3A = math.exp %add3A_16 : vector<1000x128xf32>
    %sub3A = arith.constant 1.000000e+00 : f32
    %sub3A_19 = vector.broadcast %sub3A : f32 to vector<1000x128xf32>
    %sub3A_20 = arith.subf %exp3A, %sub3A_19 : vector<1000x128xf32>
    %select_n3A = arith.select %gt3A_18, %add3A_16, %sub3A_20 : vector<1000x128xi1>, vector<1000x128xf32>
    %get3A_21 = arith.constant 0 : index
    %get3A_22 = arith.constant 0 : index
    %get3A_23 = vector.load %arg5[%get3A_21, %get3A_22] : memref<128x128xf32, #tpu.memory_space<vmem>>, vector<128x128xf32>
    %dot_general3A = arith.constant dense<0.000000e+00> : vector<1000x128xf32>
    %dot_general3A_24 = tpu.matmul %select_n3A, %get3A_23, %dot_general3A {dimension_numbers = #tpu.dot_dimension_numbers<[1], [0], [0], [1], [0, 0, 1, 1], [], []>, transpose_lhs_hint = false} : vector<1000x128xf32>, vector<128x128xf32>, vector<1000x128xf32> -> vector<1000x128xf32>
    %get3A_25 = arith.constant 0 : index
    %get3A_26 = vector.load %arg6[%get3A_25] : memref<128xf32, #tpu.memory_space<vmem>>, vector<128xf32>
    %broadcast_in_dim3A_27 = vector.shape_cast %get3A_26 : vector<128xf32> to vector<1x128xf32>
    %add3A_28 = vector.broadcast %broadcast_in_dim3A_27 : vector<1x128xf32> to vector<1000x128xf32>
    %add3A_29 = arith.addf %dot_general3A_24, %add3A_28 : vector<1000x128xf32>
    %gt3A_30 = arith.constant 0.000000e+00 : f32
    %gt3A_31 = vector.broadcast %gt3A_30 : f32 to vector<1000x128xf32>
    %gt3A_32 = arith.cmpf ogt, %add3A_29, %gt3A_31 : vector<1000x128xf32>
    %exp3A_33 = math.exp %add3A_29 : vector<1000x128xf32>
    %sub3A_34 = arith.constant 1.000000e+00 : f32
    %sub3A_35 = vector.broadcast %sub3A_34 : f32 to vector<1000x128xf32>
    %sub3A_36 = arith.subf %exp3A_33, %sub3A_35 : vector<1000x128xf32>
    %select_n3A_37 = arith.select %gt3A_32, %add3A_29, %sub3A_36 : vector<1000x128xi1>, vector<1000x128xf32>
    %get3A_38 = arith.constant 0 : index
    %get3A_39 = arith.constant 0 : index
    %get3A_40 = vector.load %arg7[%get3A_38, %get3A_39] : memref<128x10xf32, #tpu.memory_space<vmem>>, vector<128x10xf32>
    %dot_general3A_41 = arith.constant dense<0.000000e+00> : vector<1000x10xf32>
    %dot_general3A_42 = tpu.matmul %select_n3A_37, %get3A_40, %dot_general3A_41 {dimension_numbers = #tpu.dot_dimension_numbers<[1], [0], [0], [1], [0, 0, 1, 1], [], []>, transpose_lhs_hint = false} : vector<1000x128xf32>, vector<128x10xf32>, vector<1000x10xf32> -> vector<1000x10xf32>
    %get3A_43 = arith.constant 0 : index
    %get3A_44 = vector.load %arg8[%get3A_43] : memref<10xf32, #tpu.memory_space<vmem>>, vector<10xf32>
    %broadcast_in_dim3A_45 = vector.shape_cast %get3A_44 : vector<10xf32> to vector<1x10xf32>
    %add3A_46 = vector.broadcast %broadcast_in_dim3A_45 : vector<1x10xf32> to vector<1000x10xf32>
    %add3A_47 = arith.addf %dot_general3A_42, %add3A_46 : vector<1000x10xf32>
    %reduce_max3A = arith.constant dense<0xFF800000> : vector<1000xf32>
    %reduce_max3A_48 = vector.multi_reduction <maximumf>, %add3A_47, %reduce_max3A [1] : vector<1000x10xf32> to vector<1000xf32>
    %broadcast_in_dim3A_49 = vector.shape_cast %reduce_max3A_48 : vector<1000xf32> to vector<1000x1xf32>
    %sub3A_50 = vector.broadcast %broadcast_in_dim3A_49 : vector<1000x1xf32> to vector<1000x10xf32>
    %sub3A_51 = arith.subf %add3A_47, %sub3A_50 : vector<1000x10xf32>
    %exp3A_52 = math.exp %sub3A_51 : vector<1000x10xf32>
    %reduce_sum3A = arith.constant dense<0.000000e+00> : vector<1000xf32>
    %reduce_sum3A_53 = vector.multi_reduction <add>, %exp3A_52, %reduce_sum3A [1] : vector<1000x10xf32> to vector<1000xf32>
    %broadcast_in_dim3A_54 = vector.shape_cast %reduce_sum3A_53 : vector<1000xf32> to vector<1000x1xf32>
    %div3A = vector.broadcast %broadcast_in_dim3A_54 : vector<1000x1xf32> to vector<1000x10xf32>
    %div3A_55 = arith.divf %exp3A_52, %div3A : vector<1000x10xf32>
    %swap3A = arith.constant 0 : index
    %swap3A_56 = arith.constant 0 : index
    %swap3A_57 = vector.load %arg9[%swap3A, %swap3A_56] : memref<1000x10xf32, #tpu.memory_space<vmem>>, vector<1000x10xf32>
    tpu.vector_store %arg9[%swap3A, %swap3A_56], %div3A_55 {strides = array<i32>} : memref<1000x10xf32, #tpu.memory_space<vmem>>, vector<1000x10xf32>,
    return
  }
  func.func @transform_0(%arg0: i32) -> (i32, i32, i32) {
    %c0_i32 = arith.constant 0 : i32
    %c0_i32_0 = arith.constant 0 : i32
    %c0_i32_1 = arith.constant 0 : i32
    return %c0_i32, %arg0, %c0_i32_0 : i32, i32, i32
  }
  func.func @transform_1(%arg0: i32) -> (i32, i32) {
    %c0_i32 = arith.constant 0 : i32
    %c0_i32_0 = arith.constant 0 : i32
    return %arg0, %c0_i32 : i32, i32
  }
  func.func @transform_2(%arg0: i32) -> (i32, i32) {
    %c0_i32 = arith.constant 0 : i32
    %c0_i32_0 = arith.constant 0 : i32
    return %arg0, %c0_i32 : i32, i32
  }
  func.func @transform_3(%arg0: i32) -> i32 {
    %c0_i32 = arith.constant 0 : i32
    %c0_i32_0 = arith.constant 0 : i32
    return %c0_i32 : i32
  }
  func.func @transform_4(%arg0: i32) -> (i32, i32) {
    %c0_i32 = arith.constant 0 : i32
    %c0_i32_0 = arith.constant 0 : i32
    %c0_i32_1 = arith.constant 0 : i32
    return %c0_i32, %c0_i32_0 : i32, i32
  }
  func.func @transform_5(%arg0: i32) -> i32 {
    %c0_i32 = arith.constant 0 : i32
    %c0_i32_0 = arith.constant 0 : i32
    return %c0_i32 : i32
  }
  func.func @transform_6(%arg0: i32) -> (i32, i32) {
    %c0_i32 = arith.constant 0 : i32
    %c0_i32_0 = arith.constant 0 : i32
    %c0_i32_1 = arith.constant 0 : i32
    return %c0_i32, %c0_i32_0 : i32, i32
  }
  func.func @transform_7(%arg0: i32) -> i32 {
    %c0_i32 = arith.constant 0 : i32
    %c0_i32_0 = arith.constant 0 : i32
    return %c0_i32 : i32
  }
  func.func @transform_8(%arg0: i32) -> (i32, i32) {
    %c0_i32 = arith.constant 0 : i32
    %c0_i32_0 = arith.constant 0 : i32
    return %arg0, %c0_i32 : i32, i32
  }
}

</mosaic_0001>

<sc_bundles>
// kernel: kernel.11.cloned.1.call-start
scs
__scs_entry_jumppad:
0x0: {  	(pc) =	sbr.rel $0x88, $3  }
0x1: {  	(tag) =	ssettag $0x0;
	lr =	simm.s32 $0x1  }
0x2: {  	[smem:$0x3F95] =	sst lr;
	_ =	strace $0xD0000000  }
0x3: {  	_ = 	snop  }
0x4: {  	_ = 	snop  }
0x5: {  	_ = 	snop  }
0x6: {  	_ = 	snop  }
0x7: {  	_ = 	snop  }
__scs_overlays_trampoline_lowered:
0x8: {  	[smem:$0x3FA4] =	sst s0  }
0x9: {  	[smem:$0x3FA5] =	sst s1  }
0xa: {  	[smem:$0x3FA6] =	sst s2  }
0xb: {  	[smem:$0x3FA7] =	sst s3  }
0xc: {  	[smem:$0x3FA8] =	sst s4  }
0xd: {  	[smem:$0x3FA9] =	sst s5  }
0xe: {  	[smem:$0x3FAA] =	sst s6  }
0xf: {  	[smem:$0x3FAB] =	sst s7  }
0x10: {  	[smem:$0x3FAC] =	sst s8  }
0x11: {  	[smem:$0x3FAD] =	sst s9;
	s0 =	simm.s32 @!p0 $0x0  }
0x12: {  	s1 =	sld [smem:$0x3F93];
	s0 =	simm.s32 @p0 $0x1  }
0x13: {  	[smem:$0x3FAE] =	sst s0;
	s0 =	simm.s32 @!p1 $0x0  }
0x14: {  	s2 =	sld [smem:$0x3F92];
	s0 =	simm.s32 @p1 $0x1  }
0x15: {  	[smem:$0x3FAF] =	sst s0;
	s0 =	simm.s32 @!p2 $0x0  }
0x16: {  	s3 =	sld [smem:$0x3FDB];
	s0 =	simm.s32 @p2 $0x1  }
0x17: {  	s4 =	simm.s32 $0x1BF5;
	[smem:$0x3FB1] =	sst s0  }
0x18: {  	s0 =	sld [smem:$0x3F94];
	_ =	swait.ge [sflag:s4], $0x0  }
0x19: {  	s7 =	sld [smem:$0x3F95]  }
0x1a: {  	s8 =	sadd.s32 $0xFFFFE003, lr  }
0x1b: {  	s9 =	sadd.s32 $0xFFFFFEF7, lr;
	s5 =	simm.s32 $0xFFFFFFFF;
	p2 =	slt.u32 s8, $0xFFFFF086  }
0x1c: {  	p1 =	slt.u32 s9, $0xF7A;
	s5 =	simm.s32 @!p2 $0x0  }
0x1d: {  	s5 =	simm.s32 @p1 $0x1;
	p0 =	seq.s32 s7, s2  }
0x1e: {  	s7 =	smul.u32 @!p0 $0xF7A, s2;
	p2 =	seq.s32 @!p0 s5, $0x0  }
0x1f: {  	s9 =	smul.u32 $0xF7A, s1;
	s8 =	simm.s32 @!p0 $0x1BF5;
	p2 =	por !p2, p0  }
0x20: {  	[sflag:s8] =	ssyncset.s32 @!p0 $0xFFFFF086;
	s6 =	sadd.s32 @!p0 s3, s7;
	s7 =	simm.s32 @!p0 $0x108  }
0x21: {  	s3 =	sadd.s32 s3, s9;
	s6 =	sadd.s32 @!p0 $0x88, s6;
	s7 =	simm.s32 @p2 $0x1082  }
0x22: {  	[simem:s7], [sflag:s8] =	dma.local @!p0 [hbm:s6], $0xF7A  }
0x23: {  	s9 =	sor.u32 $0xD0000000, s2;
	s6 =	simm.s32 $0x108;
	_ =	swait.ge @!p0 [sflag:s8], $0x0  }
0x24: {  	s3 =	sadd.s32 $0x88, s3;
	s6 =	simm.s32 @!p1 $0x1082;
	[sflag:s4] =	ssyncset.s32 $0xFFFFF086  }
0x25: {  	[simem:s6], [sflag:s4] =	dma.local [hbm:s3], $0xF7A  }
0x26: {  	[smem:$0x3F95] =	sst s1;
	(tag) =	ssettag s2;
	_ =	strace s9  }
0x27: {  	s1 =	sld [smem:$0x3FA5]  }
0x28: {  	s2 =	sld [smem:$0x3FA6]  }
0x29: {  	s4 =	sld [smem:$0x3FA8]  }
0x2a: {  	p0 =	seq.s32 s5, $0x0;
	s5 =	sld [smem:$0x3FA9]  }
0x2b: {  	s6 =	sld [smem:$0x3FAA]  }
0x2c: {  	s7 =	sld [smem:$0x3FAB]  }
0x2d: {  	s3 =	simm.s32 $0x108;
	s8 =	sld [smem:$0x3FAC]  }
0x2e: {  	s3 =	simm.s32 @!p0 $0x1082;
	s9 =	sld [smem:$0x3FAD]  }
0x2f: {  	lr =	sadd.s32 s0, s3;
	s0 =	sld [smem:$0x3FA4]  }
0x30: {  	s3 =	sld [smem:$0x3FA7]  }
0x31: {  	[smem:$0x3FB0] =	sst s10  }
0x32: {  	s10 =	sld [smem:$0x3FAE];
	_ =	sdelay $0x3  }
0x33: {  	p0 =	seq.s32 s10, $0x1;
	s10 =	sld [smem:$0x3FB0];
	_ =	sdelay $0x3  }
0x34: {  	[smem:$0x3FB0] =	sst s10  }
0x35: {  	s10 =	sld [smem:$0x3FAF];
	_ =	sdelay $0x3  }
0x36: {  	p1 =	seq.s32 s10, $0x1;
	s10 =	sld [smem:$0x3FB0];
	_ =	sdelay $0x3  }
0x37: {  	[smem:$0x3FB0] =	sst s10  }
0x38: {  	s10 =	sld [smem:$0x3FB1]  }
0x39: {  	_ = 	snop;
	(pc) =	sbr.ind lr, $3  }
0x3a: {  	_ = 	snop  }
0x3b: {  	_ = 	snop  }
0x3c: {  	p2 =	seq.s32 s10, $0x1;
	s10 =	sld [smem:$0x3FB0]  }
0x3d: {  	_ =	shalt  }
0x3e: {  	_ =	shalt  }
0x3f: {  	_ =	shalt  }
0x40: {  	_ =	shalt  }
0x41: {  	_ =	shalt  }
0x42: {  	_ =	shalt  }
0x43: {  	_ =	shalt  }
0x44: {  	_ =	shalt  }
0x45: {  	_ =	shalt  }
0x46: {  	_ =	shalt  }
0x47: {  	_ =	shalt  }
0x48: {  	_ =	shalt  }
0x49: {  	_ =	shalt  }
0x4a: {  	_ =	shalt  }
0x4b: {  	_ =	shalt  }
0x4c: {  	_ =	shalt  }
0x4d: {  	_ =	shalt  }
0x4e: {  	_ =	shalt  }
0x4f: {  	_ =	shalt  }
0x50: {  	_ =	shalt  }
0x51: {  	_ =	shalt  }
0x52: {  	_ =	shalt  }
0x53: {  	_ =	shalt  }
0x54: {  	_ =	shalt  }
0x55: {  	_ =	shalt  }
0x56: {  	_ =	shalt  }
0x57: {  	_ =	shalt  }
0x58: {  	_ =	shalt  }
0x59: {  	_ =	shalt  }
0x5a: {  	_ =	shalt  }
0x5b: {  	_ =	shalt  }
0x5c: {  	_ =	shalt  }
0x5d: {  	_ =	shalt  }
0x5e: {  	_ =	shalt  }
0x5f: {  	_ =	shalt  }
0x60: {  	_ =	shalt  }
0x61: {  	_ =	shalt  }
0x62: {  	_ =	shalt  }
0x63: {  	_ =	shalt  }
0x64: {  	_ =	shalt  }
0x65: {  	_ =	shalt  }
0x66: {  	_ =	shalt  }
0x67: {  	_ =	shalt  }
0x68: {  	_ =	shalt  }
0x69: {  	_ =	shalt  }
0x6a: {  	_ =	shalt  }
0x6b: {  	_ =	shalt  }
0x6c: {  	_ =	shalt  }
0x6d: {  	_ =	shalt  }
0x6e: {  	_ =	shalt  }
0x6f: {  	_ =	shalt  }
0x70: {  	_ =	shalt  }
0x71: {  	_ =	shalt  }
0x72: {  	_ =	shalt  }
0x73: {  	_ =	shalt  }
0x74: {  	_ =	shalt  }
0x75: {  	_ =	shalt  }
0x76: {  	_ =	shalt  }
0x77: {  	_ =	shalt  }
0x78: {  	_ =	shalt  }
0x79: {  	_ =	shalt  }
0x7a: {  	_ =	shalt  }
0x7b: {  	_ =	shalt  }
0x7c: {  	_ =	shalt  }
0x7d: {  	_ =	shalt  }
0x7e: {  	_ =	shalt  }
0x7f: {  	_ =	shalt  }
0x80: {  	_ =	shalt  }
0x81: {  	_ =	shalt  }
0x82: {  	_ =	shalt  }
0x83: {  	_ =	shalt  }
0x84: {  	_ =	shalt  }
0x85: {  	_ =	shalt  }
0x86: {  	_ =	shalt  }
0x87: {  	_ =	shalt  }
.Lfunc_end0:
.L_simem_size_0:
called_computation.1_lowered:
.L_overlay_start_0:
0x88: {  	s2 =	sld [smem:$0x3FD9]  }
0x89: {  	s3 =	sld [smem:$0x3FFE];
	_ =	sdelay $0x1  }
0x8a: {  	s1 =	srdreg.scid  }
0x8b: {  	s0 =	sand.u32 $0x1, s1  }
0x8c: {  	s14 =	sshll.u32 s0, $0xA;
	s2 =	sadd.s32 s3, s2  }
0x8d: {  	s2 =	sadd.s32 s2, s14  }
0x8e: {  	[smem:$0x3FBC] =	sst s2  }
0x8f: {  	_ = 	snop  }
0x90: {  	s2 =	sld [smem:$0x3FD0];
	_ =	sdelay $0x2  }
0x91: {  	s15 =	simm.s32 $0xA;
	s4 =	simm.s32 $0x10  }
0x92: {  	[smem:s4], [sflag:s15] =	dma.local [hbm:s2], $0x1  }
0x93: {  	_ =	swait.eq [sflag:s15], $0x1  }
0x94: {  	[sflag:s15] =	ssyncset.done $0x0  }
0x95: {  	s16 =	sld [smem:$0x10];
	[sflag:s15] =	ssyncadd.s32 $0xFFFFFFFF  }
0x96: {  	s17 =	sld [smem:$0x11];
	(tm) =	ssettm $0x1  }
0x97: {  	s18 =	sld [smem:$0x3FFB];
	_ =	sdelay $0x3  }
0x98: {  	_ =	strace s18  }
0x99: {  	s4 =	sld [smem:$0x3FFC];
	_ =	sdelay $0x3  }
0x9a: {  	_ =	strace s4  }
0x9b: {  	s4 =	sld [smem:$0x3FFD];
	_ =	sdelay $0x3  }
0x9c: {  	_ =	strace s4  }
0x9d: {  	_ =	strace $0x8FFFFFFF  }
0x9e: {  	s19 =	sld [smem:$0x3FDB];
	_ =	sdelay $0x1  }
0x9f: {  	s5 =	simm.s32 $_scs_section_size  }
0xa0: {  	s6 =	simm.s32 $_size__tile_overlayer_lowered;
	s7 =	simm.s32 $_tile_overlayer_lowered  }
0xa1: {  	s22 =	simm.s32 $0x1BFF;
	s21 =	sshll.u32 s7, $0x1;
	s4 =	sadd.s32 s5, s19  }
0xa2: {  	s8 =	simm.s32 $0x0;
	s20 =	sshll.u32 s6, $0x1;
	s6 =	sadd.s32 s21, s4  }
0xa3: {  	[timem:s8], [sflag:s22] =	dma.local [hbm:s6], s20  }
0xa4: {  	_ =	swait.ge [sflag:s22], s20  }
0xa5: {  	s5 =	ssub.s32 $0x0, s20;
	[sflag:s22] =	ssyncset.done $0x0  }
0xa6: {  	[sflag:s22] =	ssyncadd.s32 s5;
	_ =	sdelay $0x1  }
0xa7: {  	s23 =	simm.s32 $0x1B8B  }
0xa8: {  	_ =	swait.ge [sflag:s23], $0x1  }
0xa9: {  	[sflag:s23] =	ssyncset.done $0x0  }
0xaa: {  	s25 =	simm.s32 $0x1B8E;
	s24 =	sld [smem:$0x3FFE];
	[sflag:s23] =	ssyncadd.s32 $0xFFFFFFFF  }
0xab: {  	s26 =	simm.s32 $execute0_lowered;
	[smem:$0x3FD2] =	sst s25  }
0xac: {  	s6 =	sshll.u32 s26, $0x1;
	_ =	strace $0x80000049;
	[dreg:$0x1] =	wrdreg $0xFFFFFFFF  }
0xad: {  	s28 =	simm.s32 $_size_execute0_lowered;
	s4 =	sadd.s32 s4, s6;
	[dreg:$0x0] =	wrdreg $0x0  }
0xae: {  	s6 =	sshll.u32 s28, $0x1;
	[dreg:$0x2] =	wrdreg s4  }
0xaf: {  	[dreg:$0x3] =	wrdreg s6  }
0xb0: {  	[dreg:$0x4] =	wrdreg $0xC0  }
0xb1: {  	_ =	task [dreg:s8], $0x5FFFF  }
0xb2: {  	[dreg:$0x1] =	wrdreg $0xFFFFFFFF  }
0xb3: {  	[dreg:$0x0] =	wrdreg $0x60  }
0xb4: {  	[dreg:$0x2] =	wrdreg s24  }
0xb5: {  	[dreg:$0x3] =	wrdreg s16  }
0xb6: {  	[dreg:$0x4] =	wrdreg s17  }
0xb7: {  	[dreg:$0x5] =	wrdreg $0x51000  }
0xb8: {  	[dreg:$0x6] =	wrdreg $0x9  }
0xb9: {  	_ =	task.clear_ibuf [dreg:s8], $0x7FFFF;
	_ =	strace $0x90000049  }
0xba: {  	s29 =	simm.s32 $0x9;
	_ =	strace $0x8000004B  }
0xbb: {  	_ =	swait.ge [sflag:s29], $0x1  }
0xbc: {  	[sflag:s29] =	ssyncadd.s32 $0xFFFFFFFF  }
0xbd: {  	_ =	strace $0x9000004B  }
0xbe: {  	_ =	sfence  }
0xbf: {  	s30 =	sld [smem:$0x0];
	_ =	sdelay $0x2  }
0xc0: {  	s31 =	sshll.u32 s1, $0xD;
	s1 =	sshrl.u32 s1, $0x2  }
0xc1: {  	s3 =	sand.u32 $0x4000, s31;
	s1 =	sadd.s32 s1, s30  }
0xc2: {  	s0 =	sor.u32 s3, s0;
	s1 =	sshll.u32 s1, $0x11  }
0xc3: {  	s0 =	sor.u32 s1, s0  }
0xc4: {  	s0 =	sadd.s32 $0x8F2B, s0  }
0xc5: {  	[sflag:s0] =	ssyncadd.remote.s32 $0x1  }
0xc6: {  	_ =	sfence.sel $0xFFFF  }
0xc7: {  	[dreg:$0x0] =	wrdreg $0xFFFFFFFF;
	(pc) =	sbr.abs _section_cstart, $3  }
0xc8: {  	[dreg:$0x1] =	wrdreg $0xFFFFFFFF  }
0xc9: {  	_ =	task.clear_ibuf [dreg:s8], $0x2FFFF;
	_ =	strace $0x9FFFFFFF  }
0xca: {  	(tm) =	ssettm $0x7FFFFFFF  }
0xcb: {  	_ =	shalt  }
tec
execute0_lowered:
.L_overlay_start_1:
0x0: {  	(tag) =	ssettag $0x1  }
0x1: {  	s9 =	rddreg [dreg:$0x0]  }
0x2: {  	s1 =	rddreg [dreg:$0x1]  }
0x3: {  	s2 =	rddreg [dreg:$0x2]  }
0x4: {  	s3 =	rddreg [dreg:$0x3]  }
0x5: {  	s4 =	srdreg.scid;
	s0 =	rddreg [dreg:$0x4];
	s5 =	simm.s32 $0x0  }
0x6: {  	s15 =	simm.s32 $0x80;
	s16 =	simm.s32 $0x100;
	s17 =	simm.s32 $0x50  }
0x7: {  	s18 =	simm.s32 $0x2900;
	s19 =	simm.s32 $0x1;
	s24 =	simm.s32 $0x0  }
0x8: {  	s10 =	sand.u32 $0x1, s4;
	s4 =	stileid.u32;
	[smem:$0x7FF] =	sst s5  }
0x9: {  	s6 =	sadd.s32 $0x31E00, s9;
	s7 =	sadd.s32 $0x22400, s9;
	s11 =	smul.u32 $0x140000, s10  }
0xa: {  	s8 =	sadd.s32 $0x12A00, s9;
	s12 =	smul.u32 $0x14000, s4;
	_ =	strace $0x8000004A  }
0xb: {  	s28 =	ssub.s32 $0x2, s10;
	s14 =	smul.u32 $0x50000, s4;
	s29 =	sshll.u32 s4, $0x1  }
0xc: {  	s31 =	sshll.u32 s4, $0x6;
	s13 =	sshrl.u32 s28, $0x1;
	s10 =	sor.u32 s10, s29  }
0xd: {  	s11 =	sadd.s32 s12, s11;
	s12 =	ssub.s32 s28, s13;
	s30 =	sshrl.u32 s14, $0x2  }
0xe: {  	s10 =	smul.u32 $0x7D, s10;
	s11 =	sshrl.u32 s11, $0x3;
	s14 =	sadd.s32 s30, s3  }
0xf: {  	s12 =	smax.u32 s12, $0x1;
	s11 =	sadd.s32 s11, s9;
	s9 =	sor.u32 $0x1C02, s31  }
0x10: {  	s13 =	sshrl.u32 s14, $0x3;
	s14 =	simm.s32 $0x2;
	s11 =	sadd.s32 $0x80200, s11  }
.LBB2_1:
0x11: {  	[spmem:s13], [sflag:s9] =	dma.local [hbm:s2], $0x2800  }
0x12: {  	_ =	swait.ge [sflag:s14], $0x2800  }
0x13: {  	[sflag:s14] =	ssyncset.done $0x0  }
0x14: {  	[sflag:s14] =	ssyncadd.s32 $0xFFFFD800  }
0x15: {  	s20 =	simm.s32 $0x0;
	[bflag:$0x0] =	sbarrier.arrive $0xFFFF  }
.LBB2_2:
0x16: {  	s21 =	sadd.s32 s10, s20  }
0x17: {  	s22 =	sshll.u32 s21, $0x4  }
0x18: {  	s23 =	sadd.s32 s7, s22  }
0x19: {  	[tilespmem:s24], [sflag:$0x2] =	stream.linear.gather [hbm4b:s23+s24], $0x80, $0x38;
	[tilespmem:$0x19100] =	vst v63  }
0x1a: {  	_ =	swait.ge [sflag:s14], $0x80  }
0x1b: {  	[sflag:s14] =	ssyncset.done $0x0  }
0x1c: {  	s22 =	sadd.s32 s8, s22;
	[sflag:s14] =	ssyncadd.s32 $0xFFFFFF80  }
0x1d: {  	[tilespmem:s15], [sflag:$0x2] =	stream.linear.gather [hbm4b:s22+s24], $0x80, $0x38;
	[tilespmem:$0x19100] =	vst v63  }
0x1e: {  	s21 =	smul.u32 $0x500, s21;
	_ =	swait.ge [sflag:s14], $0x80  }
0x1f: {  	[sflag:s14] =	ssyncset.done $0x0  }
0x20: {  	s21 =	sadd.s32 s1, s21;
	[sflag:s14] =	ssyncadd.s32 $0xFFFFFF80  }
0x21: {  	[tilespmem:s16], [sflag:$0x2] =	stream.linear.gather [hbm4b:s21+s24], $0x2800, $0x38;
	[tilespmem:$0x19100] =	vst v63  }
0x22: {  	_ =	swait.ge [sflag:s14], $0x2800  }
0x23: {  	[sflag:s14] =	ssyncset.done $0x0  }
0x24: {  	[sflag:s14] =	ssyncadd.s32 $0xFFFFD800  }
0x25: {  	[tilespmem:s18], [sflag:$0x1] =	stream.indirect.gather [hbm4b:s6+s17], $0x80, s24, s17, $0xb8;
	[tilespmem:$0x19100] =	vst v63  }
0x26: {  	_ =	swait.ge [sflag:s19], $0x2800  }
0x27: {  	[sflag:s19] =	ssyncset.done $0x0  }
0x28: {  	s21 =	simm.s32 $0x0;
	[sflag:s19] =	ssyncadd.s32 $0xFFFFD800  }
0x29: {  	v0 =	vld [tilespmem:s21+$0x100]  }
0x2a: {  	v4 =	vld [tilespmem:s21+$0x2900]  }
0x2b: {  	v6 =	vld [tilespmem:s21+$0x2910]  }
0x2c: {  	v5 =	vld [tilespmem:s21+$0x2920]  }
0x2d: {  	v3 =	vld [tilespmem:s21+$0x2930]  }
0x2e: {  	v1 =	vld [tilespmem:s21+$0x2940]  }
0x2f: {  	v2 =	vld [tilespmem:s21+$0x2950];
	v7 =	vmul.f32 v4, v0  }
0x30: {  	s22 =	simm.s32 $0x200;
	v6 =	vmul.f32 v6, v0;
	v4 =	vld [tilespmem:s21+$0x2960]  }
.LBB2_3:
0x31: {  	s23 =	sshra.s32 s22, $0x2;
	p0 =	sne.s32 s22, $0x9E00;
	[tilespmem:s21+$0x2900] =	vst v7;
	v5 =	vmul.f32 v5, v0;
	v7 =	vld [tilespmem:s21+$0x2970]  }
0x32: {  	v8 =	vld [tilespmem:s23+$0x100];
	[tilespmem:s21+$0x2910] =	vst v6;
	v3 =	vmul.f32 v3, v0  }
0x33: {  	v6 =	vld [tilespmem:s23+$0x2900];
	[tilespmem:s21+$0x2920] =	vst v5;
	v1 =	vmul.f32 v1, v0  }
0x34: {  	v9 =	vld [tilespmem:s23+$0x2910];
	[tilespmem:s21+$0x2930] =	vst v3;
	v2 =	vmul.f32 v2, v0  }
.Ltmp0:
0x35: {  	v5 =	vld [tilespmem:s23+$0x2920];
	[tilespmem:s21+$0x2940] =	vst v1;
	v4 =	vmul.f32 v4, v0;
	(pc) =	sbr.rel @p0 .LBB2_3-.Ltmp0, $4  }
0x36: {  	v3 =	vld [tilespmem:s23+$0x2930];
	[tilespmem:s21+$0x2950] =	vst v2;
	v10 =	vmul.f32 v7, v0  }
0x37: {  	v1 =	vld [tilespmem:s23+$0x2940];
	[tilespmem:s21+$0x2960] =	vst v4;
	v0 =	vmov v8  }
0x38: {  	v7 =	vmul.f32 v6, v0;
	v2 =	vld [tilespmem:s23+$0x2950];
	[tilespmem:s21+$0x2970] =	vst v10;
	s21 =	smov.u32 s23  }
0x39: {  	s22 =	sadd.s32 $0x200, s22;
	v6 =	vmul.f32 v9, v0;
	v4 =	vld [tilespmem:s21+$0x2960]  }
0x3a: {  	[tilespmem:s21+$0x2900] =	vst v7;
	v5 =	vmul.f32 v5, v0;
	v61 =	vld [tilespmem:s21+$0x2970]  }
0x3b: {  	[tilespmem:s21+$0x2910] =	vst v6;
	v3 =	vmul.f32 v3, v0  }
0x3c: {  	[tilespmem:s21+$0x2920] =	vst v5;
	v1 =	vmul.f32 v1, v0  }
0x3d: {  	[tilespmem:s21+$0x2930] =	vst v3;
	v2 =	vmul.f32 v2, v0  }
0x3e: {  	[tilespmem:s21+$0x2940] =	vst v1;
	v62 =	vmul.f32 v4, v0  }
0x3f: {  	s20 =	sadd.s32 $0x1, s20;
	[tilespmem:s21+$0x2950] =	vst v2;
	v63 =	vmul.f32 v61, v0  }
0x40: {  	p0 =	sne.s32 s20, $0x7D;
	[tilespmem:s21+$0x2960] =	vst v62  }
.Ltmp1:
0x41: {  	[tilespmem:s21+$0x2970] =	vst v63;
	(pc) =	sbr.rel @p0 .LBB2_2-.Ltmp1, $4  }
0x42: {  	[spmem:s3] =	stream.indirect.scatter.add.f32 [tilespmem:s18], [sflag:$0x2], $0x80, s15, s17, $0xb8;
	[tilespmem:$0x19100] =	vst v63  }
0x43: {  	_ =	swait.ge [sflag:s14], $0x2800  }
0x44: {  	[sflag:s14] =	ssyncset.done $0x0  }
0x45: {  	[sflag:s14] =	ssyncadd.s32 $0xFFFFD800  }
0x46: {  	s5 =	sadd.s32 $0x1, s5  }
0x47: {  	p0 =	sne.s32 s5, s12  }
.Ltmp2:
0x48: {  	[bflag:$0x0] =	sbarrier.arrive $0xFFFF;
	(pc) =	sbr.rel @p0 .LBB2_1-.Ltmp2, $4  }
0x49: {  	[hbm:s11], [sflag:s9] =	dma.local [spmem:s13], $0x2800  }
0x4a: {  	_ =	swait.ge [sflag:s14], $0x2800  }
0x4b: {  	[sflag:s14] =	ssyncset.done $0x0  }
0x4c: {  	[sflag:s14] =	ssyncadd.s32 $0xFFFFD800  }
0x4d: {  	_ =	sfence.sel $0x180000  }
0x4e: {  	[bflag:$0x0] =	sbarrier.arrive $0xFFFF  }
0x4f: {  	p0 =	sne.s32 s4, $0x0;
	_ =	strace $0x9000004A  }
0x50: {  	s0 =	sadd.s32 @!p0 $0x100000, s0;
	[bflag:$0x2] =	sbarrier.arrive $0xFFFF  }
0x51: {  	[sflag:s0] =	ssyncadd.tile.s32 @!p0 $0x1;
	_ =	shalt  }
.Lfunc_end2:
_tile_overlayer_lowered:
.L_overlay_start_2:
0x52: {  	(tag) =	ssettag $0x2  }
0x53: {  	s0 =	rddreg [dreg:$0x0];
	s2 =	stileid.u32  }
0x54: {  	s1 =	rddreg [dreg:$0x1];
	p0 =	sne.s32 s2, $0x0  }
0x55: {  	s3 =	rddreg [dreg:$0x2];
	[bflag:$0x3] =	sbarrier.arrive $0xFFFF;
	s2 =	simm.s32 @!p0 $0x1C02  }
0x56: {  	[timem:s3], [sflag:s2] =	dma.local @!p0 [hbm:s0], s1  }
0x57: {  	s0 =	simm.s32 @!p0 $0x2  }
0x58: {  	_ =	swait.ge @!p0 [sflag:s0], s1  }
0x59: {  	s1 =	ssub.s32 @!p0 $0x0, s1;
	[sflag:s0] =	ssyncset.done @!p0 $0x0  }
0x5a: {  	[sflag:s0] =	ssyncadd.s32 @!p0 s1  }
0x5b: {  	[bflag:$0x3] =	sbarrier.arrive $0xFFFF  }
0x5c: {  	_ =	shalt  }

// kernel: kernel.14.cloned.1.call-start
scs
__scs_entry_jumppad:
0x0: {  	(pc) =	sbr.rel $0x88, $3  }
0x1: {  	(tag) =	ssettag $0x0;
	lr =	simm.s32 $0x1  }
0x2: {  	[smem:$0x3F95] =	sst lr;
	_ =	strace $0xD0000000  }
0x3: {  	_ = 	snop  }
0x4: {  	_ = 	snop  }
0x5: {  	_ = 	snop  }
0x6: {  	_ = 	snop  }
0x7: {  	_ = 	snop  }
__scs_overlays_trampoline_lowered:
0x8: {  	[smem:$0x3FA4] =	sst s0  }
0x9: {  	[smem:$0x3FA5] =	sst s1  }
0xa: {  	[smem:$0x3FA6] =	sst s2  }
0xb: {  	[smem:$0x3FA7] =	sst s3  }
0xc: {  	[smem:$0x3FA8] =	sst s4  }
0xd: {  	[smem:$0x3FA9] =	sst s5  }
0xe: {  	[smem:$0x3FAA] =	sst s6  }
0xf: {  	[smem:$0x3FAB] =	sst s7  }
0x10: {  	[smem:$0x3FAC] =	sst s8  }
0x11: {  	[smem:$0x3FAD] =	sst s9;
	s0 =	simm.s32 @!p0 $0x0  }
0x12: {  	s1 =	sld [smem:$0x3F93];
	s0 =	simm.s32 @p0 $0x1  }
0x13: {  	[smem:$0x3FAE] =	sst s0;
	s0 =	simm.s32 @!p1 $0x0  }
0x14: {  	s2 =	sld [smem:$0x3F92];
	s0 =	simm.s32 @p1 $0x1  }
0x15: {  	[smem:$0x3FAF] =	sst s0;
	s0 =	simm.s32 @!p2 $0x0  }
0x16: {  	s3 =	sld [smem:$0x3FDB];
	s0 =	simm.s32 @p2 $0x1  }
0x17: {  	s4 =	simm.s32 $0x1BF5;
	[smem:$0x3FB1] =	sst s0  }
0x18: {  	s0 =	sld [smem:$0x3F94];
	_ =	swait.ge [sflag:s4], $0x0  }
0x19: {  	s7 =	sld [smem:$0x3F95]  }
0x1a: {  	s8 =	sadd.s32 $0xFFFFE003, lr  }
0x1b: {  	s9 =	sadd.s32 $0xFFFFFEF7, lr;
	s5 =	simm.s32 $0xFFFFFFFF;
	p2 =	slt.u32 s8, $0xFFFFF086  }
0x1c: {  	p1 =	slt.u32 s9, $0xF7A;
	s5 =	simm.s32 @!p2 $0x0  }
0x1d: {  	s5 =	simm.s32 @p1 $0x1;
	p0 =	seq.s32 s7, s2  }
0x1e: {  	s7 =	smul.u32 @!p0 $0xF7A, s2;
	p2 =	seq.s32 @!p0 s5, $0x0  }
0x1f: {  	s9 =	smul.u32 $0xF7A, s1;
	s8 =	simm.s32 @!p0 $0x1BF5;
	p2 =	por !p2, p0  }
0x20: {  	[sflag:s8] =	ssyncset.s32 @!p0 $0xFFFFF086;
	s6 =	sadd.s32 @!p0 s3, s7;
	s7 =	simm.s32 @!p0 $0x108  }
0x21: {  	s3 =	sadd.s32 s3, s9;
	s6 =	sadd.s32 @!p0 $0x88, s6;
	s7 =	simm.s32 @p2 $0x1082  }
0x22: {  	[simem:s7], [sflag:s8] =	dma.local @!p0 [hbm:s6], $0xF7A  }
0x23: {  	s9 =	sor.u32 $0xD0000000, s2;
	s6 =	simm.s32 $0x108;
	_ =	swait.ge @!p0 [sflag:s8], $0x0  }
0x24: {  	s3 =	sadd.s32 $0x88, s3;
	s6 =	simm.s32 @!p1 $0x1082;
	[sflag:s4] =	ssyncset.s32 $0xFFFFF086  }
0x25: {  	[simem:s6], [sflag:s4] =	dma.local [hbm:s3], $0xF7A  }
0x26: {  	[smem:$0x3F95] =	sst s1;
	(tag) =	ssettag s2;
	_ =	strace s9  }
0x27: {  	s1 =	sld [smem:$0x3FA5]  }
0x28: {  	s2 =	sld [smem:$0x3FA6]  }
0x29: {  	s4 =	sld [smem:$0x3FA8]  }
0x2a: {  	p0 =	seq.s32 s5, $0x0;
	s5 =	sld [smem:$0x3FA9]  }
0x2b: {  	s6 =	sld [smem:$0x3FAA]  }
0x2c: {  	s7 =	sld [smem:$0x3FAB]  }
0x2d: {  	s3 =	simm.s32 $0x108;
	s8 =	sld [smem:$0x3FAC]  }
0x2e: {  	s3 =	simm.s32 @!p0 $0x1082;
	s9 =	sld [smem:$0x3FAD]  }
0x2f: {  	lr =	sadd.s32 s0, s3;
	s0 =	sld [smem:$0x3FA4]  }
0x30: {  	s3 =	sld [smem:$0x3FA7]  }
0x31: {  	[smem:$0x3FB0] =	sst s10  }
0x32: {  	s10 =	sld [smem:$0x3FAE];
	_ =	sdelay $0x3  }
0x33: {  	p0 =	seq.s32 s10, $0x1;
	s10 =	sld [smem:$0x3FB0];
	_ =	sdelay $0x3  }
0x34: {  	[smem:$0x3FB0] =	sst s10  }
0x35: {  	s10 =	sld [smem:$0x3FAF];
	_ =	sdelay $0x3  }
0x36: {  	p1 =	seq.s32 s10, $0x1;
	s10 =	sld [smem:$0x3FB0];
	_ =	sdelay $0x3  }
0x37: {  	[smem:$0x3FB0] =	sst s10  }
0x38: {  	s10 =	sld [smem:$0x3FB1]  }
0x39: {  	_ = 	snop;
	(pc) =	sbr.ind lr, $3  }
0x3a: {  	_ = 	snop  }
0x3b: {  	_ = 	snop  }
0x3c: {  	p2 =	seq.s32 s10, $0x1;
	s10 =	sld [smem:$0x3FB0]  }
0x3d: {  	_ =	shalt  }
0x3e: {  	_ =	shalt  }
0x3f: {  	_ =	shalt  }
0x40: {  	_ =	shalt  }
0x41: {  	_ =	shalt  }
0x42: {  	_ =	shalt  }
0x43: {  	_ =	shalt  }
0x44: {  	_ =	shalt  }
0x45: {  	_ =	shalt  }
0x46: {  	_ =	shalt  }
0x47: {  	_ =	shalt  }
0x48: {  	_ =	shalt  }
0x49: {  	_ =	shalt  }
0x4a: {  	_ =	shalt  }
0x4b: {  	_ =	shalt  }
0x4c: {  	_ =	shalt  }
0x4d: {  	_ =	shalt  }
0x4e: {  	_ =	shalt  }
0x4f: {  	_ =	shalt  }
0x50: {  	_ =	shalt  }
0x51: {  	_ =	shalt  }
0x52: {  	_ =	shalt  }
0x53: {  	_ =	shalt  }
0x54: {  	_ =	shalt  }
0x55: {  	_ =	shalt  }
0x56: {  	_ =	shalt  }
0x57: {  	_ =	shalt  }
0x58: {  	_ =	shalt  }
0x59: {  	_ =	shalt  }
0x5a: {  	_ =	shalt  }
0x5b: {  	_ =	shalt  }
0x5c: {  	_ =	shalt  }
0x5d: {  	_ =	shalt  }
0x5e: {  	_ =	shalt  }
0x5f: {  	_ =	shalt  }
0x60: {  	_ =	shalt  }
0x61: {  	_ =	shalt  }
0x62: {  	_ =	shalt  }
0x63: {  	_ =	shalt  }
0x64: {  	_ =	shalt  }
0x65: {  	_ =	shalt  }
0x66: {  	_ =	shalt  }
0x67: {  	_ =	shalt  }
0x68: {  	_ =	shalt  }
0x69: {  	_ =	shalt  }
0x6a: {  	_ =	shalt  }
0x6b: {  	_ =	shalt  }
0x6c: {  	_ =	shalt  }
0x6d: {  	_ =	shalt  }
0x6e: {  	_ =	shalt  }
0x6f: {  	_ =	shalt  }
0x70: {  	_ =	shalt  }
0x71: {  	_ =	shalt  }
0x72: {  	_ =	shalt  }
0x73: {  	_ =	shalt  }
0x74: {  	_ =	shalt  }
0x75: {  	_ =	shalt  }
0x76: {  	_ =	shalt  }
0x77: {  	_ =	shalt  }
0x78: {  	_ =	shalt  }
0x79: {  	_ =	shalt  }
0x7a: {  	_ =	shalt  }
0x7b: {  	_ =	shalt  }
0x7c: {  	_ =	shalt  }
0x7d: {  	_ =	shalt  }
0x7e: {  	_ =	shalt  }
0x7f: {  	_ =	shalt  }
0x80: {  	_ =	shalt  }
0x81: {  	_ =	shalt  }
0x82: {  	_ =	shalt  }
0x83: {  	_ =	shalt  }
0x84: {  	_ =	shalt  }
0x85: {  	_ =	shalt  }
0x86: {  	_ =	shalt  }
0x87: {  	_ =	shalt  }
.Lfunc_end0:
.L_simem_size_0:
called_computation.2_lowered:
.L_overlay_start_0:
0x88: {  	s2 =	sld [smem:$0x3FD9]  }
0x89: {  	s3 =	sld [smem:$0x3FFE];
	_ =	sdelay $0x1  }
0x8a: {  	s1 =	srdreg.scid  }
0x8b: {  	s0 =	sand.u32 $0x1, s1  }
0x8c: {  	s14 =	sshll.u32 s0, $0xA;
	s2 =	sadd.s32 s3, s2  }
0x8d: {  	s2 =	sadd.s32 s2, s14  }
0x8e: {  	[smem:$0x3FBC] =	sst s2  }
0x8f: {  	_ = 	snop  }
0x90: {  	s2 =	sld [smem:$0x3FD0];
	_ =	sdelay $0x2  }
0x91: {  	s15 =	simm.s32 $0xA;
	s4 =	simm.s32 $0x10  }
0x92: {  	[smem:s4], [sflag:s15] =	dma.local [hbm:s2], $0x1  }
0x93: {  	_ =	swait.eq [sflag:s15], $0x1  }
0x94: {  	[sflag:s15] =	ssyncset.done $0x0  }
0x95: {  	s16 =	sld [smem:$0x10];
	[sflag:s15] =	ssyncadd.s32 $0xFFFFFFFF  }
0x96: {  	s17 =	sld [smem:$0x11];
	(tm) =	ssettm $0x1  }
0x97: {  	s18 =	sld [smem:$0x3FFB];
	_ =	sdelay $0x3  }
0x98: {  	_ =	strace s18  }
0x99: {  	s4 =	sld [smem:$0x3FFC];
	_ =	sdelay $0x3  }
0x9a: {  	_ =	strace s4  }
0x9b: {  	s4 =	sld [smem:$0x3FFD];
	_ =	sdelay $0x3  }
0x9c: {  	_ =	strace s4  }
0x9d: {  	_ =	strace $0x8FFFFFFF  }
0x9e: {  	s19 =	sld [smem:$0x3FDB];
	_ =	sdelay $0x1  }
0x9f: {  	s5 =	simm.s32 $_scs_section_size  }
0xa0: {  	s6 =	simm.s32 $_size__tile_overlayer_lowered;
	s7 =	simm.s32 $_tile_overlayer_lowered  }
0xa1: {  	s22 =	simm.s32 $0x1BFF;
	s21 =	sshll.u32 s7, $0x1;
	s4 =	sadd.s32 s5, s19  }
0xa2: {  	s8 =	simm.s32 $0x0;
	s20 =	sshll.u32 s6, $0x1;
	s6 =	sadd.s32 s21, s4  }
0xa3: {  	[timem:s8], [sflag:s22] =	dma.local [hbm:s6], s20  }
0xa4: {  	_ =	swait.ge [sflag:s22], s20  }
0xa5: {  	s5 =	ssub.s32 $0x0, s20;
	[sflag:s22] =	ssyncset.done $0x0  }
0xa6: {  	[sflag:s22] =	ssyncadd.s32 s5;
	_ =	sdelay $0x1  }
0xa7: {  	s23 =	simm.s32 $0x1B8B  }
0xa8: {  	_ =	swait.ge [sflag:s23], $0x1  }
0xa9: {  	[sflag:s23] =	ssyncset.done $0x0  }
0xaa: {  	s25 =	simm.s32 $0x1B8E;
	s24 =	sld [smem:$0x3FFE];
	[sflag:s23] =	ssyncadd.s32 $0xFFFFFFFF  }
0xab: {  	s26 =	simm.s32 $execute0_lowered;
	[smem:$0x3FD2] =	sst s25  }
0xac: {  	s6 =	sshll.u32 s26, $0x1;
	_ =	strace $0x8000004C;
	[dreg:$0x1] =	wrdreg $0xFFFFFFFF  }
0xad: {  	s28 =	simm.s32 $_size_execute0_lowered;
	s4 =	sadd.s32 s4, s6;
	[dreg:$0x0] =	wrdreg $0x0  }
0xae: {  	s6 =	sshll.u32 s28, $0x1;
	[dreg:$0x2] =	wrdreg s4  }
0xaf: {  	[dreg:$0x3] =	wrdreg s6  }
0xb0: {  	[dreg:$0x4] =	wrdreg $0xC0  }
0xb1: {  	_ =	task [dreg:s8], $0x5FFFF  }
0xb2: {  	[dreg:$0x1] =	wrdreg $0xFFFFFFFF  }
0xb3: {  	[dreg:$0x0] =	wrdreg $0x60  }
0xb4: {  	[dreg:$0x2] =	wrdreg s24  }
0xb5: {  	[dreg:$0x3] =	wrdreg s16  }
0xb6: {  	[dreg:$0x4] =	wrdreg s17  }
0xb7: {  	[dreg:$0x5] =	wrdreg $0x51000  }
0xb8: {  	[dreg:$0x6] =	wrdreg $0x9  }
0xb9: {  	_ =	task.clear_ibuf [dreg:s8], $0x7FFFF;
	_ =	strace $0x9000004C  }
0xba: {  	s29 =	simm.s32 $0x9;
	_ =	strace $0x8000004E  }
0xbb: {  	_ =	swait.ge [sflag:s29], $0x1  }
0xbc: {  	[sflag:s29] =	ssyncadd.s32 $0xFFFFFFFF  }
0xbd: {  	_ =	strace $0x9000004E  }
0xbe: {  	_ =	sfence  }
0xbf: {  	s30 =	sld [smem:$0x0];
	_ =	sdelay $0x2  }
0xc0: {  	s31 =	sshll.u32 s1, $0xD;
	s1 =	sshrl.u32 s1, $0x2  }
0xc1: {  	s3 =	sand.u32 $0x4000, s31;
	s1 =	sadd.s32 s1, s30  }
0xc2: {  	s0 =	sor.u32 s3, s0;
	s1 =	sshll.u32 s1, $0x11  }
0xc3: {  	s0 =	sor.u32 s1, s0  }
0xc4: {  	s0 =	sadd.s32 $0x8F2B, s0  }
0xc5: {  	[sflag:s0] =	ssyncadd.remote.s32 $0x1  }
0xc6: {  	_ =	sfence.sel $0xFFFF  }
0xc7: {  	[dreg:$0x0] =	wrdreg $0xFFFFFFFF;
	(pc) =	sbr.abs _section_cstart, $3  }
0xc8: {  	[dreg:$0x1] =	wrdreg $0xFFFFFFFF  }
0xc9: {  	_ =	task.clear_ibuf [dreg:s8], $0x2FFFF;
	_ =	strace $0x9FFFFFFF  }
0xca: {  	(tm) =	ssettm $0x7FFFFFFF  }
0xcb: {  	_ =	shalt  }
tec
execute0_lowered:
.L_overlay_start_1:
0x0: {  	(tag) =	ssettag $0x1  }
0x1: {  	s9 =	rddreg [dreg:$0x0]  }
0x2: {  	s1 =	rddreg [dreg:$0x1]  }
0x3: {  	s2 =	rddreg [dreg:$0x2]  }
0x4: {  	s3 =	rddreg [dreg:$0x3]  }
0x5: {  	s4 =	srdreg.scid;
	s0 =	rddreg [dreg:$0x4];
	s5 =	simm.s32 $0x0  }
0x6: {  	s15 =	simm.s32 $0x80;
	s16 =	simm.s32 $0x100;
	s17 =	simm.s32 $0x50  }
0x7: {  	s18 =	simm.s32 $0x2900;
	s19 =	simm.s32 $0x1;
	s24 =	simm.s32 $0x0  }
0x8: {  	s10 =	sand.u32 $0x1, s4;
	s4 =	stileid.u32;
	[smem:$0x7FF] =	sst s5  }
0x9: {  	s6 =	sadd.s32 $0x31E00, s9;
	s7 =	sadd.s32 $0x22400, s9;
	s11 =	smul.u32 $0x140000, s10  }
0xa: {  	s8 =	sadd.s32 $0x12A00, s9;
	s12 =	smul.u32 $0x14000, s4;
	_ =	strace $0x8000004D  }
0xb: {  	s28 =	ssub.s32 $0x2, s10;
	s14 =	smul.u32 $0x50000, s4;
	s29 =	sshll.u32 s4, $0x1  }
0xc: {  	s31 =	sshll.u32 s4, $0x6;
	s13 =	sshrl.u32 s28, $0x1;
	s10 =	sor.u32 s10, s29  }
0xd: {  	s11 =	sadd.s32 s12, s11;
	s12 =	ssub.s32 s28, s13;
	s30 =	sshrl.u32 s14, $0x2  }
0xe: {  	s10 =	smul.u32 $0x7D, s10;
	s11 =	sshrl.u32 s11, $0x3;
	s14 =	sadd.s32 s30, s3  }
0xf: {  	s12 =	smax.u32 s12, $0x1;
	s11 =	sadd.s32 s11, s9;
	s9 =	sor.u32 $0x1C02, s31  }
0x10: {  	s13 =	sshrl.u32 s14, $0x3;
	s14 =	simm.s32 $0x2;
	s11 =	sadd.s32 $0x80200, s11  }
.LBB2_1:
0x11: {  	[spmem:s13], [sflag:s9] =	dma.local [hbm:s2], $0x2800  }
0x12: {  	_ =	swait.ge [sflag:s14], $0x2800  }
0x13: {  	[sflag:s14] =	ssyncset.done $0x0  }
0x14: {  	[sflag:s14] =	ssyncadd.s32 $0xFFFFD800  }
0x15: {  	s20 =	simm.s32 $0x0;
	[bflag:$0x0] =	sbarrier.arrive $0xFFFF  }
.LBB2_2:
0x16: {  	s21 =	sadd.s32 s10, s20  }
0x17: {  	s22 =	sshll.u32 s21, $0x4  }
0x18: {  	s23 =	sadd.s32 s7, s22  }
0x19: {  	[tilespmem:s24], [sflag:$0x2] =	stream.linear.gather [hbm4b:s23+s24], $0x80, $0x38;
	[tilespmem:$0x19100] =	vst v63  }
0x1a: {  	_ =	swait.ge [sflag:s14], $0x80  }
0x1b: {  	[sflag:s14] =	ssyncset.done $0x0  }
0x1c: {  	s22 =	sadd.s32 s8, s22;
	[sflag:s14] =	ssyncadd.s32 $0xFFFFFF80  }
0x1d: {  	[tilespmem:s15], [sflag:$0x2] =	stream.linear.gather [hbm4b:s22+s24], $0x80, $0x38;
	[tilespmem:$0x19100] =	vst v63  }
0x1e: {  	s21 =	smul.u32 $0x500, s21;
	_ =	swait.ge [sflag:s14], $0x80  }
0x1f: {  	[sflag:s14] =	ssyncset.done $0x0  }
0x20: {  	s21 =	sadd.s32 s1, s21;
	[sflag:s14] =	ssyncadd.s32 $0xFFFFFF80  }
0x21: {  	[tilespmem:s16], [sflag:$0x2] =	stream.linear.gather [hbm4b:s21+s24], $0x2800, $0x38;
	[tilespmem:$0x19100] =	vst v63  }
0x22: {  	_ =	swait.ge [sflag:s14], $0x2800  }
0x23: {  	[sflag:s14] =	ssyncset.done $0x0  }
0x24: {  	[sflag:s14] =	ssyncadd.s32 $0xFFFFD800  }
0x25: {  	[tilespmem:s18], [sflag:$0x1] =	stream.indirect.gather [hbm4b:s6+s17], $0x80, s24, s17, $0xb8;
	[tilespmem:$0x19100] =	vst v63  }
0x26: {  	_ =	swait.ge [sflag:s19], $0x2800  }
0x27: {  	[sflag:s19] =	ssyncset.done $0x0  }
0x28: {  	s21 =	simm.s32 $0x0;
	[sflag:s19] =	ssyncadd.s32 $0xFFFFD800  }
0x29: {  	v0 =	vld [tilespmem:s21+$0x100]  }
0x2a: {  	v4 =	vld [tilespmem:s21+$0x2900]  }
0x2b: {  	v6 =	vld [tilespmem:s21+$0x2910]  }
0x2c: {  	v5 =	vld [tilespmem:s21+$0x2920]  }
0x2d: {  	v3 =	vld [tilespmem:s21+$0x2930]  }
0x2e: {  	v1 =	vld [tilespmem:s21+$0x2940]  }
0x2f: {  	v2 =	vld [tilespmem:s21+$0x2950];
	v7 =	vmul.f32 v4, v0  }
0x30: {  	s22 =	simm.s32 $0x200;
	v6 =	vmul.f32 v6, v0;
	v4 =	vld [tilespmem:s21+$0x2960]  }
.LBB2_3:
0x31: {  	s23 =	sshra.s32 s22, $0x2;
	p0 =	sne.s32 s22, $0x9E00;
	[tilespmem:s21+$0x2900] =	vst v7;
	v5 =	vmul.f32 v5, v0;
	v7 =	vld [tilespmem:s21+$0x2970]  }
0x32: {  	v8 =	vld [tilespmem:s23+$0x100];
	[tilespmem:s21+$0x2910] =	vst v6;
	v3 =	vmul.f32 v3, v0  }
0x33: {  	v6 =	vld [tilespmem:s23+$0x2900];
	[tilespmem:s21+$0x2920] =	vst v5;
	v1 =	vmul.f32 v1, v0  }
0x34: {  	v9 =	vld [tilespmem:s23+$0x2910];
	[tilespmem:s21+$0x2930] =	vst v3;
	v2 =	vmul.f32 v2, v0  }
.Ltmp0:
0x35: {  	v5 =	vld [tilespmem:s23+$0x2920];
	[tilespmem:s21+$0x2940] =	vst v1;
	v4 =	vmul.f32 v4, v0;
	(pc) =	sbr.rel @p0 .LBB2_3-.Ltmp0, $4  }
0x36: {  	v3 =	vld [tilespmem:s23+$0x2930];
	[tilespmem:s21+$0x2950] =	vst v2;
	v10 =	vmul.f32 v7, v0  }
0x37: {  	v1 =	vld [tilespmem:s23+$0x2940];
	[tilespmem:s21+$0x2960] =	vst v4;
	v0 =	vmov v8  }
0x38: {  	v7 =	vmul.f32 v6, v0;
	v2 =	vld [tilespmem:s23+$0x2950];
	[tilespmem:s21+$0x2970] =	vst v10;
	s21 =	smov.u32 s23  }
0x39: {  	s22 =	sadd.s32 $0x200, s22;
	v6 =	vmul.f32 v9, v0;
	v4 =	vld [tilespmem:s21+$0x2960]  }
0x3a: {  	[tilespmem:s21+$0x2900] =	vst v7;
	v5 =	vmul.f32 v5, v0;
	v61 =	vld [tilespmem:s21+$0x2970]  }
0x3b: {  	[tilespmem:s21+$0x2910] =	vst v6;
	v3 =	vmul.f32 v3, v0  }
0x3c: {  	[tilespmem:s21+$0x2920] =	vst v5;
	v1 =	vmul.f32 v1, v0  }
0x3d: {  	[tilespmem:s21+$0x2930] =	vst v3;
	v2 =	vmul.f32 v2, v0  }
0x3e: {  	[tilespmem:s21+$0x2940] =	vst v1;
	v62 =	vmul.f32 v4, v0  }
0x3f: {  	s20 =	sadd.s32 $0x1, s20;
	[tilespmem:s21+$0x2950] =	vst v2;
	v63 =	vmul.f32 v61, v0  }
0x40: {  	p0 =	sne.s32 s20, $0x7D;
	[tilespmem:s21+$0x2960] =	vst v62  }
.Ltmp1:
0x41: {  	[tilespmem:s21+$0x2970] =	vst v63;
	(pc) =	sbr.rel @p0 .LBB2_2-.Ltmp1, $4  }
0x42: {  	[spmem:s3] =	stream.indirect.scatter.add.f32 [tilespmem:s18], [sflag:$0x2], $0x80, s15, s17, $0xb8;
	[tilespmem:$0x19100] =	vst v63  }
0x43: {  	_ =	swait.ge [sflag:s14], $0x2800  }
0x44: {  	[sflag:s14] =	ssyncset.done $0x0  }
0x45: {  	[sflag:s14] =	ssyncadd.s32 $0xFFFFD800  }
0x46: {  	s5 =	sadd.s32 $0x1, s5  }
0x47: {  	p0 =	sne.s32 s5, s12  }
.Ltmp2:
0x48: {  	[bflag:$0x0] =	sbarrier.arrive $0xFFFF;
	(pc) =	sbr.rel @p0 .LBB2_1-.Ltmp2, $4  }
0x49: {  	[hbm:s11], [sflag:s9] =	dma.local [spmem:s13], $0x2800  }
0x4a: {  	_ =	swait.ge [sflag:s14], $0x2800  }
0x4b: {  	[sflag:s14] =	ssyncset.done $0x0  }
0x4c: {  	[sflag:s14] =	ssyncadd.s32 $0xFFFFD800  }
0x4d: {  	_ =	sfence.sel $0x180000  }
0x4e: {  	[bflag:$0x0] =	sbarrier.arrive $0xFFFF  }
0x4f: {  	p0 =	sne.s32 s4, $0x0;
	_ =	strace $0x9000004D  }
0x50: {  	s0 =	sadd.s32 @!p0 $0x100000, s0;
	[bflag:$0x2] =	sbarrier.arrive $0xFFFF  }
0x51: {  	[sflag:s0] =	ssyncadd.tile.s32 @!p0 $0x1;
	_ =	shalt  }
.Lfunc_end2:
_tile_overlayer_lowered:
.L_overlay_start_2:
0x52: {  	(tag) =	ssettag $0x2  }
0x53: {  	s0 =	rddreg [dreg:$0x0];
	s2 =	stileid.u32  }
0x54: {  	s1 =	rddreg [dreg:$0x1];
	p0 =	sne.s32 s2, $0x0  }
0x55: {  	s3 =	rddreg [dreg:$0x2];
	[bflag:$0x3] =	sbarrier.arrive $0xFFFF;
	s2 =	simm.s32 @!p0 $0x1C02  }
0x56: {  	[timem:s3], [sflag:s2] =	dma.local @!p0 [hbm:s0], s1  }
0x57: {  	s0 =	simm.s32 @!p0 $0x2  }
0x58: {  	_ =	swait.ge @!p0 [sflag:s0], s1  }
0x59: {  	s1 =	ssub.s32 @!p0 $0x0, s1;
	[sflag:s0] =	ssyncset.done @!p0 $0x0  }
0x5a: {  	[sflag:s0] =	ssyncadd.s32 @!p0 s1  }
0x5b: {  	[bflag:$0x3] =	sbarrier.arrive $0xFFFF  }
0x5c: {  	_ =	shalt  }

// kernel: kernel.8.cloned.1.call-start
scs
__scs_entry_jumppad:
0x0: {  	(pc) =	sbr.rel $0x88, $3  }
0x1: {  	(tag) =	ssettag $0x0;
	lr =	simm.s32 $0x1  }
0x2: {  	[smem:$0x3F95] =	sst lr;
	_ =	strace $0xD0000000  }
0x3: {  	_ = 	snop  }
0x4: {  	_ = 	snop  }
0x5: {  	_ = 	snop  }
0x6: {  	_ = 	snop  }
0x7: {  	_ = 	snop  }
__scs_overlays_trampoline_lowered:
0x8: {  	[smem:$0x3FA4] =	sst s0  }
0x9: {  	[smem:$0x3FA5] =	sst s1  }
0xa: {  	[smem:$0x3FA6] =	sst s2  }
0xb: {  	[smem:$0x3FA7] =	sst s3  }
0xc: {  	[smem:$0x3FA8] =	sst s4  }
0xd: {  	[smem:$0x3FA9] =	sst s5  }
0xe: {  	[smem:$0x3FAA] =	sst s6  }
0xf: {  	[smem:$0x3FAB] =	sst s7  }
0x10: {  	[smem:$0x3FAC] =	sst s8  }
0x11: {  	[smem:$0x3FAD] =	sst s9;
	s0 =	simm.s32 @!p0 $0x0  }
0x12: {  	s1 =	sld [smem:$0x3F93];
	s0 =	simm.s32 @p0 $0x1  }
0x13: {  	[smem:$0x3FAE] =	sst s0;
	s0 =	simm.s32 @!p1 $0x0  }
0x14: {  	s2 =	sld [smem:$0x3F92];
	s0 =	simm.s32 @p1 $0x1  }
0x15: {  	[smem:$0x3FAF] =	sst s0;
	s0 =	simm.s32 @!p2 $0x0  }
0x16: {  	s3 =	sld [smem:$0x3FDB];
	s0 =	simm.s32 @p2 $0x1  }
0x17: {  	s4 =	simm.s32 $0x1BF5;
	[smem:$0x3FB1] =	sst s0  }
0x18: {  	s0 =	sld [smem:$0x3F94];
	_ =	swait.ge [sflag:s4], $0x0  }
0x19: {  	s7 =	sld [smem:$0x3F95]  }
0x1a: {  	s8 =	sadd.s32 $0xFFFFE003, lr  }
0x1b: {  	s9 =	sadd.s32 $0xFFFFFEF7, lr;
	s5 =	simm.s32 $0xFFFFFFFF;
	p2 =	slt.u32 s8, $0xFFFFF086  }
0x1c: {  	p1 =	slt.u32 s9, $0xF7A;
	s5 =	simm.s32 @!p2 $0x0  }
0x1d: {  	s5 =	simm.s32 @p1 $0x1;
	p0 =	seq.s32 s7, s2  }
0x1e: {  	s7 =	smul.u32 @!p0 $0xF7A, s2;
	p2 =	seq.s32 @!p0 s5, $0x0  }
0x1f: {  	s9 =	smul.u32 $0xF7A, s1;
	s8 =	simm.s32 @!p0 $0x1BF5;
	p2 =	por !p2, p0  }
0x20: {  	[sflag:s8] =	ssyncset.s32 @!p0 $0xFFFFF086;
	s6 =	sadd.s32 @!p0 s3, s7;
	s7 =	simm.s32 @!p0 $0x108  }
0x21: {  	s3 =	sadd.s32 s3, s9;
	s6 =	sadd.s32 @!p0 $0x88, s6;
	s7 =	simm.s32 @p2 $0x1082  }
0x22: {  	[simem:s7], [sflag:s8] =	dma.local @!p0 [hbm:s6], $0xF7A  }
0x23: {  	s9 =	sor.u32 $0xD0000000, s2;
	s6 =	simm.s32 $0x108;
	_ =	swait.ge @!p0 [sflag:s8], $0x0  }
0x24: {  	s3 =	sadd.s32 $0x88, s3;
	s6 =	simm.s32 @!p1 $0x1082;
	[sflag:s4] =	ssyncset.s32 $0xFFFFF086  }
0x25: {  	[simem:s6], [sflag:s4] =	dma.local [hbm:s3], $0xF7A  }
0x26: {  	[smem:$0x3F95] =	sst s1;
	(tag) =	ssettag s2;
	_ =	strace s9  }
0x27: {  	s1 =	sld [smem:$0x3FA5]  }
0x28: {  	s2 =	sld [smem:$0x3FA6]  }
0x29: {  	s4 =	sld [smem:$0x3FA8]  }
0x2a: {  	p0 =	seq.s32 s5, $0x0;
	s5 =	sld [smem:$0x3FA9]  }
0x2b: {  	s6 =	sld [smem:$0x3FAA]  }
0x2c: {  	s7 =	sld [smem:$0x3FAB]  }
0x2d: {  	s3 =	simm.s32 $0x108;
	s8 =	sld [smem:$0x3FAC]  }
0x2e: {  	s3 =	simm.s32 @!p0 $0x1082;
	s9 =	sld [smem:$0x3FAD]  }
0x2f: {  	lr =	sadd.s32 s0, s3;
	s0 =	sld [smem:$0x3FA4]  }
0x30: {  	s3 =	sld [smem:$0x3FA7]  }
0x31: {  	[smem:$0x3FB0] =	sst s10  }
0x32: {  	s10 =	sld [smem:$0x3FAE];
	_ =	sdelay $0x3  }
0x33: {  	p0 =	seq.s32 s10, $0x1;
	s10 =	sld [smem:$0x3FB0];
	_ =	sdelay $0x3  }
0x34: {  	[smem:$0x3FB0] =	sst s10  }
0x35: {  	s10 =	sld [smem:$0x3FAF];
	_ =	sdelay $0x3  }
0x36: {  	p1 =	seq.s32 s10, $0x1;
	s10 =	sld [smem:$0x3FB0];
	_ =	sdelay $0x3  }
0x37: {  	[smem:$0x3FB0] =	sst s10  }
0x38: {  	s10 =	sld [smem:$0x3FB1]  }
0x39: {  	_ = 	snop;
	(pc) =	sbr.ind lr, $3  }
0x3a: {  	_ = 	snop  }
0x3b: {  	_ = 	snop  }
0x3c: {  	p2 =	seq.s32 s10, $0x1;
	s10 =	sld [smem:$0x3FB0]  }
0x3d: {  	_ =	shalt  }
0x3e: {  	_ =	shalt  }
0x3f: {  	_ =	shalt  }
0x40: {  	_ =	shalt  }
0x41: {  	_ =	shalt  }
0x42: {  	_ =	shalt  }
0x43: {  	_ =	shalt  }
0x44: {  	_ =	shalt  }
0x45: {  	_ =	shalt  }
0x46: {  	_ =	shalt  }
0x47: {  	_ =	shalt  }
0x48: {  	_ =	shalt  }
0x49: {  	_ =	shalt  }
0x4a: {  	_ =	shalt  }
0x4b: {  	_ =	shalt  }
0x4c: {  	_ =	shalt  }
0x4d: {  	_ =	shalt  }
0x4e: {  	_ =	shalt  }
0x4f: {  	_ =	shalt  }
0x50: {  	_ =	shalt  }
0x51: {  	_ =	shalt  }
0x52: {  	_ =	shalt  }
0x53: {  	_ =	shalt  }
0x54: {  	_ =	shalt  }
0x55: {  	_ =	shalt  }
0x56: {  	_ =	shalt  }
0x57: {  	_ =	shalt  }
0x58: {  	_ =	shalt  }
0x59: {  	_ =	shalt  }
0x5a: {  	_ =	shalt  }
0x5b: {  	_ =	shalt  }
0x5c: {  	_ =	shalt  }
0x5d: {  	_ =	shalt  }
0x5e: {  	_ =	shalt  }
0x5f: {  	_ =	shalt  }
0x60: {  	_ =	shalt  }
0x61: {  	_ =	shalt  }
0x62: {  	_ =	shalt  }
0x63: {  	_ =	shalt  }
0x64: {  	_ =	shalt  }
0x65: {  	_ =	shalt  }
0x66: {  	_ =	shalt  }
0x67: {  	_ =	shalt  }
0x68: {  	_ =	shalt  }
0x69: {  	_ =	shalt  }
0x6a: {  	_ =	shalt  }
0x6b: {  	_ =	shalt  }
0x6c: {  	_ =	shalt  }
0x6d: {  	_ =	shalt  }
0x6e: {  	_ =	shalt  }
0x6f: {  	_ =	shalt  }
0x70: {  	_ =	shalt  }
0x71: {  	_ =	shalt  }
0x72: {  	_ =	shalt  }
0x73: {  	_ =	shalt  }
0x74: {  	_ =	shalt  }
0x75: {  	_ =	shalt  }
0x76: {  	_ =	shalt  }
0x77: {  	_ =	shalt  }
0x78: {  	_ =	shalt  }
0x79: {  	_ =	shalt  }
0x7a: {  	_ =	shalt  }
0x7b: {  	_ =	shalt  }
0x7c: {  	_ =	shalt  }
0x7d: {  	_ =	shalt  }
0x7e: {  	_ =	shalt  }
0x7f: {  	_ =	shalt  }
0x80: {  	_ =	shalt  }
0x81: {  	_ =	shalt  }
0x82: {  	_ =	shalt  }
0x83: {  	_ =	shalt  }
0x84: {  	_ =	shalt  }
0x85: {  	_ =	shalt  }
0x86: {  	_ =	shalt  }
0x87: {  	_ =	shalt  }
.Lfunc_end0:
.L_simem_size_0:
called_computation_lowered:
.L_overlay_start_0:
0x88: {  	s2 =	sld [smem:$0x3FD9]  }
0x89: {  	s3 =	sld [smem:$0x3FFE];
	_ =	sdelay $0x1  }
0x8a: {  	s1 =	srdreg.scid  }
0x8b: {  	s0 =	sand.u32 $0x1, s1  }
0x8c: {  	s14 =	sshll.u32 s0, $0xA;
	s2 =	sadd.s32 s3, s2  }
0x8d: {  	s2 =	sadd.s32 s2, s14  }
0x8e: {  	[smem:$0x3FBC] =	sst s2  }
0x8f: {  	_ = 	snop  }
0x90: {  	s2 =	sld [smem:$0x3FD0];
	_ =	sdelay $0x2  }
0x91: {  	s15 =	simm.s32 $0xA;
	s4 =	simm.s32 $0x10  }
0x92: {  	[smem:s4], [sflag:s15] =	dma.local [hbm:s2], $0x1  }
0x93: {  	_ =	swait.eq [sflag:s15], $0x1  }
0x94: {  	[sflag:s15] =	ssyncset.done $0x0  }
0x95: {  	s16 =	sld [smem:$0x10];
	[sflag:s15] =	ssyncadd.s32 $0xFFFFFFFF  }
0x96: {  	s17 =	sld [smem:$0x11];
	(tm) =	ssettm $0x1  }
0x97: {  	s18 =	sld [smem:$0x3FFB];
	_ =	sdelay $0x3  }
0x98: {  	_ =	strace s18  }
0x99: {  	s4 =	sld [smem:$0x3FFC];
	_ =	sdelay $0x3  }
0x9a: {  	_ =	strace s4  }
0x9b: {  	s4 =	sld [smem:$0x3FFD];
	_ =	sdelay $0x3  }
0x9c: {  	_ =	strace s4  }
0x9d: {  	_ =	strace $0x8FFFFFFF  }
0x9e: {  	s19 =	sld [smem:$0x3FDB];
	_ =	sdelay $0x1  }
0x9f: {  	s5 =	simm.s32 $_scs_section_size  }
0xa0: {  	s6 =	simm.s32 $_size__tile_overlayer_lowered;
	s7 =	simm.s32 $_tile_overlayer_lowered  }
0xa1: {  	s22 =	simm.s32 $0x1BFF;
	s21 =	sshll.u32 s7, $0x1;
	s4 =	sadd.s32 s5, s19  }
0xa2: {  	s8 =	simm.s32 $0x0;
	s20 =	sshll.u32 s6, $0x1;
	s6 =	sadd.s32 s21, s4  }
0xa3: {  	[timem:s8], [sflag:s22] =	dma.local [hbm:s6], s20  }
0xa4: {  	_ =	swait.ge [sflag:s22], s20  }
0xa5: {  	s5 =	ssub.s32 $0x0, s20;
	[sflag:s22] =	ssyncset.done $0x0  }
0xa6: {  	[sflag:s22] =	ssyncadd.s32 s5;
	_ =	sdelay $0x1  }
0xa7: {  	s23 =	simm.s32 $0x1B8B  }
0xa8: {  	_ =	swait.ge [sflag:s23], $0x1  }
0xa9: {  	[sflag:s23] =	ssyncset.done $0x0  }
0xaa: {  	s25 =	simm.s32 $0x1B8E;
	s24 =	sld [smem:$0x3FFE];
	[sflag:s23] =	ssyncadd.s32 $0xFFFFFFFF  }
0xab: {  	s26 =	simm.s32 $execute0_lowered;
	[smem:$0x3FD2] =	sst s25  }
0xac: {  	s6 =	sshll.u32 s26, $0x1;
	_ =	strace $0x80000046;
	[dreg:$0x1] =	wrdreg $0xFFFFFFFF  }
0xad: {  	s28 =	simm.s32 $_size_execute0_lowered;
	s4 =	sadd.s32 s4, s6;
	[dreg:$0x0] =	wrdreg $0x0  }
0xae: {  	s6 =	sshll.u32 s28, $0x1;
	[dreg:$0x2] =	wrdreg s4  }
0xaf: {  	[dreg:$0x3] =	wrdreg s6  }
0xb0: {  	[dreg:$0x4] =	wrdreg $0xC0  }
0xb1: {  	_ =	task [dreg:s8], $0x5FFFF  }
0xb2: {  	[dreg:$0x1] =	wrdreg $0xFFFFFFFF  }
0xb3: {  	[dreg:$0x0] =	wrdreg $0x60  }
0xb4: {  	[dreg:$0x2] =	wrdreg s24  }
0xb5: {  	[dreg:$0x3] =	wrdreg s16  }
0xb6: {  	[dreg:$0x4] =	wrdreg s17  }
0xb7: {  	[dreg:$0x5] =	wrdreg $0x1000  }
0xb8: {  	[dreg:$0x6] =	wrdreg $0x9  }
0xb9: {  	_ =	task.clear_ibuf [dreg:s8], $0x7FFFF;
	_ =	strace $0x90000046  }
0xba: {  	s29 =	simm.s32 $0x9;
	_ =	strace $0x80000048  }
0xbb: {  	_ =	swait.ge [sflag:s29], $0x1  }
0xbc: {  	[sflag:s29] =	ssyncadd.s32 $0xFFFFFFFF  }
0xbd: {  	_ =	strace $0x90000048  }
0xbe: {  	_ =	sfence  }
0xbf: {  	s30 =	sld [smem:$0x0];
	_ =	sdelay $0x2  }
0xc0: {  	s31 =	sshll.u32 s1, $0xD;
	s1 =	sshrl.u32 s1, $0x2  }
0xc1: {  	s3 =	sand.u32 $0x4000, s31;
	s1 =	sadd.s32 s1, s30  }
0xc2: {  	s0 =	sor.u32 s3, s0;
	s1 =	sshll.u32 s1, $0x11  }
0xc3: {  	s0 =	sor.u32 s1, s0  }
0xc4: {  	s0 =	sadd.s32 $0x8F2B, s0  }
0xc5: {  	[sflag:s0] =	ssyncadd.remote.s32 $0x1  }
0xc6: {  	_ =	sfence.sel $0xFFFF  }
0xc7: {  	[dreg:$0x0] =	wrdreg $0xFFFFFFFF;
	(pc) =	sbr.abs _section_cstart, $3  }
0xc8: {  	[dreg:$0x1] =	wrdreg $0xFFFFFFFF  }
0xc9: {  	_ =	task.clear_ibuf [dreg:s8], $0x2FFFF;
	_ =	strace $0x9FFFFFFF  }
0xca: {  	(tm) =	ssettm $0x7FFFFFFF  }
0xcb: {  	_ =	shalt  }
tec
execute0_lowered:
.L_overlay_start_1:
0x0: {  	(tag) =	ssettag $0x1  }
0x1: {  	s4 =	rddreg [dreg:$0x0]  }
0x2: {  	s1 =	rddreg [dreg:$0x1]  }
0x3: {  	s5 =	rddreg [dreg:$0x2]  }
0x4: {  	s2 =	rddreg [dreg:$0x3]  }
0x5: {  	s0 =	rddreg [dreg:$0x4]  }
0x6: {  	s3 =	simm.s32 $0x0;
	s7 =	stileid.u32;
	s6 =	srdreg.scid  }
0x7: {  	s11 =	simm.s32 $0x50;
	s12 =	simm.s32 $0x0;
	[smem:$0x7FF] =	sst s3  }
0x8: {  	s8 =	smul.u32 $0xFA0, s7;
	s6 =	sand.u32 $0x1, s6;
	p0 =	sne.s32 s7, $0x0  }
0x9: {  	_ =	strace $0x80000047;
	s9 =	ssub.s32 $0x2, s6;
	s10 =	smul.u32 $0x7D0, s6  }
0xa: {  	s6 =	sshll.u32 s6, $0x4;
	s8 =	sadd.s32 s8, s4;
	s31 =	sshrl.u32 s9, $0x1  }
0xb: {  	s4 =	sadd.s32 s5, s6;
	s9 =	ssub.s32 s9, s31;
	s8 =	sadd.s32 s10, s8  }
0xc: {  	s10 =	simm.s32 $0x80;
	s5 =	smax.u32 s9, $0x1;
	s6 =	sadd.s32 $0x12A00, s8  }
0xd: {  	s7 =	sadd.s32 $0x3000, s8;
	s8 =	sshrl.u32 @!p0 s2, $0x3;
	s9 =	simm.s32 $0x1  }
.LBB2_1:
0xe: {  	s13 =	simm.s32 @!p0 $0x1C01  }
0xf: {  	[spmem:s8], [sflag:s13] =	dma.local @!p0 [hbm:s1], $0x4F0  }
0x10: {  	s13 =	simm.s32 @!p0 $0x1  }
0x11: {  	_ =	swait.ge @!p0 [sflag:s13], $0x4F0  }
0x12: {  	[sflag:s13] =	ssyncset.done @!p0 $0x0  }
0x13: {  	[sflag:s13] =	ssyncadd.s32 @!p0 $0xFFFFFB10  }
0x14: {  	s30 =	sadd.s32 $0x0, s6;
	[bflag:$0x0] =	sbarrier.arrive $0xFFFF  }
0x15: {  	[tilespmem:s3], [sflag:$0x1] =	stream.linear.gather [hbm4b:s30+s3], $0x80, $0x38;
	[tilespmem:$0x378] =	vst v63  }
0x16: {  	_ =	swait.ge [sflag:s9], $0x80  }
0x17: {  	[sflag:s9] =	ssyncset.done $0x0  }
0x18: {  	s31 =	sadd.s32 $0x0, s7;
	[sflag:s9] =	ssyncadd.s32 $0xFFFFFF80  }
0x19: {  	[tilespmem:s10], [sflag:$0x1] =	stream.linear.gather [hbm4b:s31+s3], $0x80, $0x38;
	[tilespmem:$0x378] =	vst v63  }
0x1a: {  	_ =	swait.ge [sflag:s9], $0x80  }
0x1b: {  	[sflag:s9] =	ssyncset.done $0x0  }
0x1c: {  	[sflag:s9] =	ssyncadd.s32 $0xFFFFFF80  }
0x1d: {  	[spmem:s2] =	stream.indirect.scatter.add.f32 [tilespmem:s10], [sflag:$0x1], $0x1, s3, s11, $0xb8;
	[tilespmem:$0x378] =	vst v63  }
0x1e: {  	_ =	swait.ge [sflag:s9], $0x50  }
0x1f: {  	s14 =	simm.s32 $0x20;
	s13 =	simm.s32 $0x10;
	[sflag:s9] =	ssyncset.done $0x0  }
.LBB2_2:
0x20: {  	s15 =	sadd.s32 s13, s6  }
0x21: {  	[sflag:s9] =	ssyncadd.s32 $0xFFFFFFB0;
	s16 =	smov.u32 s14;
	s17 =	sadd.s32 $0x10, s14  }
0x22: {  	[tilespmem:s3], [sflag:$0x1] =	stream.linear.gather [hbm4b:s15+s3], $0x80, $0x38;
	[tilespmem:$0x378] =	vst v63  }
0x23: {  	p1 =	sne.s32 s14, $0x7C0;
	_ =	swait.ge [sflag:s9], $0x80  }
0x24: {  	[sflag:s9] =	ssyncset.done $0x0  }
0x25: {  	s14 =	sadd.s32 s13, s7;
	s13 =	smov.u32 s16;
	[sflag:s9] =	ssyncadd.s32 $0xFFFFFF80  }
0x26: {  	[tilespmem:s10], [sflag:$0x1] =	stream.linear.gather [hbm4b:s14+s3], $0x80, $0x38;
	[tilespmem:$0x378] =	vst v63  }
0x27: {  	_ =	swait.ge [sflag:s9], $0x80  }
.Ltmp0:
0x28: {  	[sflag:s9] =	ssyncset.done $0x0;
	(pc) =	sbr.rel @p1 .LBB2_2-.Ltmp0, $4  }
0x29: {  	[sflag:s9] =	ssyncadd.s32 $0xFFFFFF80  }
0x2a: {  	[spmem:s2] =	stream.indirect.scatter.add.f32 [tilespmem:s10], [sflag:$0x1], $0x1, s3, s11, $0xb8;
	[tilespmem:$0x378] =	vst v63  }
0x2b: {  	_ =	swait.ge [sflag:s9], $0x50  }
0x2c: {  	s14 =	smov.u32 s17;
	[sflag:s9] =	ssyncset.done $0x0  }
0x2d: {  	s14 =	sadd.s32 s13, s6;
	[sflag:s9] =	ssyncadd.s32 $0xFFFFFFB0  }
0x2e: {  	[tilespmem:s3], [sflag:$0x1] =	stream.linear.gather [hbm4b:s14+s3], $0x80, $0x38;
	[tilespmem:$0x378] =	vst v63  }
0x2f: {  	_ =	swait.ge [sflag:s9], $0x80  }
0x30: {  	[sflag:s9] =	ssyncset.done $0x0  }
0x31: {  	s31 =	sadd.s32 s13, s7;
	[sflag:s9] =	ssyncadd.s32 $0xFFFFFF80  }
0x32: {  	[tilespmem:s10], [sflag:$0x1] =	stream.linear.gather [hbm4b:s31+s3], $0x80, $0x38;
	[tilespmem:$0x378] =	vst v63  }
0x33: {  	_ =	swait.ge [sflag:s9], $0x80  }
0x34: {  	[sflag:s9] =	ssyncset.done $0x0  }
0x35: {  	[sflag:s9] =	ssyncadd.s32 $0xFFFFFF80  }
0x36: {  	[spmem:s2] =	stream.indirect.scatter.add.f32 [tilespmem:s10], [sflag:$0x1], $0x1, s3, s11, $0xb8;
	[tilespmem:$0x378] =	vst v63  }
0x37: {  	s13 =	simm.s32 @!p0 $0x1;
	_ =	swait.ge [sflag:s9], $0x50  }
0x38: {  	s15 =	simm.s32 @!p0 $0x10;
	s12 =	sadd.s32 $0x1, s12;
	[sflag:s9] =	ssyncset.done $0x0  }
0x39: {  	s16 =	simm.s32 @!p0 $0x1C01;
	p1 =	sne.s32 s12, s5;
	[sflag:s9] =	ssyncadd.s32 $0xFFFFFFB0  }
.Ltmp1:
0x3a: {  	s14 =	simm.s32 @!p0 $0x20;
	[bflag:$0x0] =	sbarrier.arrive $0xFFFF;
	(pc) =	sbr.rel @p1 .LBB2_1-.Ltmp1, $4  }
0x3b: {  	[hbm:s4@s14], [sflag:s16] =	dma.strided @!p0 [spmem:s8@s15], $0x4F0, s13, $0x10   }
0x3c: {  	_ =	swait.ge @!p0 [sflag:s13], $0x4F0  }
0x3d: {  	[sflag:s13] =	ssyncset.done @!p0 $0x0  }
0x3e: {  	[sflag:s13] =	ssyncadd.s32 @!p0 $0xFFFFFB10  }
0x3f: {  	_ =	sfence.sel $0x180000  }
0x40: {  	[bflag:$0x0] =	sbarrier.arrive $0xFFFF  }
0x41: {  	_ =	strace $0x90000047  }
0x42: {  	s0 =	sadd.s32 @!p0 $0x100000, s0;
	[bflag:$0x2] =	sbarrier.arrive $0xFFFF  }
0x43: {  	[sflag:s0] =	ssyncadd.tile.s32 @!p0 $0x1;
	_ =	shalt  }
.Lfunc_end2:
_tile_overlayer_lowered:
.L_overlay_start_2:
0x44: {  	(tag) =	ssettag $0x2  }
0x45: {  	s0 =	rddreg [dreg:$0x0];
	s2 =	stileid.u32  }
0x46: {  	s1 =	rddreg [dreg:$0x1];
	p0 =	sne.s32 s2, $0x0  }
0x47: {  	s3 =	rddreg [dreg:$0x2];
	[bflag:$0x3] =	sbarrier.arrive $0xFFFF;
	s2 =	simm.s32 @!p0 $0x1C01  }
0x48: {  	[timem:s3], [sflag:s2] =	dma.local @!p0 [hbm:s0], s1  }
0x49: {  	s0 =	simm.s32 @!p0 $0x1  }
0x4a: {  	_ =	swait.ge @!p0 [sflag:s0], s1  }
0x4b: {  	s1 =	ssub.s32 @!p0 $0x0, s1;
	[sflag:s0] =	ssyncset.done @!p0 $0x0  }
0x4c: {  	[sflag:s0] =	ssyncadd.s32 @!p0 s1  }
0x4d: {  	[bflag:$0x3] =	sbarrier.arrive $0xFFFF  }
0x4e: {  	_ =	shalt  }

</sc_bundles>
